<compile_context>
chip_gen: v7x
topology: tpu7x:2x2x1
jax: 0.10.2.dev20260603
libtpu: 0.0.44.dev20260713+nightly
codegen_flags: <defaults>
</compile_context>

<pallas_src>
import functools

import jax
import jax.numpy as jnp
from jax import lax
from jax.experimental import pallas as pl
from jax.experimental.pallas import tpu as pltpu
from jax.experimental.pallas import tpu_sc as plsc

N, E, DIN, H, DOUT, B = 10000, 320000, 128, 256, 128, 16

NC, TPS = 2, 16
NW = NC * TPS
K = 128
CH = 79
EPT = CH * K
EP = NW * EPT
NPAD = 10240
RPT = NPAD // TPS
DRPT = NPAD // TPS
BLK = 400
NBLK = N // BLK

_MESH = plsc.VectorSubcoreMesh(core_axis_name="c", subcore_axis_name="s")


def _sc_degree(dst3):

    @functools.partial(
        pl.kernel,
        out_type=jax.ShapeDtypeStruct((NC * NPAD,), jnp.float32),
        mesh=_MESH,
        scratch_types=[
            pltpu.VMEM((CH, K), jnp.int32),
            pltpu.VMEM((K,), jnp.float32),
            pltpu.VMEM((DRPT,), jnp.float32),
            pltpu.VMEM_SHARED((NPAD,), jnp.float32),
        ],
    )
    def deg_kernel(dst_hbm, deg_hbm, idx_v, ones_v, z_v, acc_sh):
        c = lax.axis_index("c")
        s = lax.axis_index("s")
        t = c * TPS + s

        @pl.loop(0, K, step=16)
        def _(i):
            ones_v[pl.ds(i, 16)] = jnp.full((16,), 1.0, jnp.float32)

        @pl.loop(0, DRPT, step=16)
        def _(i):
            z_v[pl.ds(i, 16)] = jnp.zeros((16,), jnp.float32)

        pltpu.sync_copy(z_v, acc_sh.at[pl.ds(s * DRPT, DRPT)])
        pltpu.sync_copy(dst_hbm.at[t], idx_v)
        plsc.subcore_barrier()

        @pl.loop(0, CH)
        def _(j):
            pltpu.sync_copy(ones_v, acc_sh.at[idx_v.at[j]], add=True)

        plsc.subcore_barrier()
        pltpu.sync_copy(acc_sh.at[pl.ds(s * DRPT, DRPT)],
                        deg_hbm.at[pl.ds(c * NPAD + s * DRPT, DRPT)])

    return deg_kernel(dst3)


def _chunk_pass(x_hbm, src_v, dst_v, acc_sh, rows_v):

    @pl.loop(0, CH)
    def _(j):
        pltpu.sync_copy(x_hbm.at[src_v.at[j]], rows_v)
        pltpu.sync_copy(rows_v, acc_sh.at[dst_v.at[j]], add=True)


def _sc_agg_edges(src3, dst3, xs, zeros):
    f = xs.shape[1]

    @functools.partial(
        pl.kernel,
        out_type=jax.ShapeDtypeStruct((NC, NPAD, f), jnp.float32),
        mesh=_MESH,
        scratch_types=[
            pltpu.VMEM((CH, K), jnp.int32),
            pltpu.VMEM((CH, K), jnp.int32),
            pltpu.VMEM((K, f), jnp.float32),
            pltpu.VMEM_SHARED((NPAD, f), jnp.float32),
        ],
    )
    def agg_kernel(src_hbm, dst_hbm, x_hbm, z_hbm, out_hbm,
                   src_v, dst_v, rows_v, acc_sh):
        c = lax.axis_index("c")
        s = lax.axis_index("s")
        t = c * TPS + s
        r0 = s * RPT
        pltpu.sync_copy(z_hbm.at[pl.ds(r0, RPT)], acc_sh.at[pl.ds(r0, RPT)])
        pltpu.sync_copy(src_hbm.at[t], src_v)
        pltpu.sync_copy(dst_hbm.at[t], dst_v)
        plsc.subcore_barrier()

        _chunk_pass(x_hbm, src_v, dst_v, acc_sh, rows_v)

        plsc.subcore_barrier()
        pltpu.sync_copy(acc_sh.at[pl.ds(r0, RPT)],
                        out_hbm.at[c, pl.ds(r0, RPT)])

    return agg_kernel(src3, dst3, xs, zeros)


def _sc_agg_feat(src3, dst3, x2cat, zeros):
    f = x2cat.shape[1]

    @functools.partial(
        pl.kernel,
        out_type=jax.ShapeDtypeStruct((NC, NPAD, f), jnp.float32),
        mesh=_MESH,
        scratch_types=[
            pltpu.VMEM((CH, K), jnp.int32),
            pltpu.VMEM((CH, K), jnp.int32),
            pltpu.VMEM((K, f), jnp.float32),
            pltpu.VMEM_SHARED((NPAD, f), jnp.float32),
        ],
    )
    def agg_kernel(src_hbm, dst_hbm, x_hbm, z_hbm, out_hbm,
                   src_v, dst_v, rows_v, acc_sh):
        c = lax.axis_index("c")
        s = lax.axis_index("s")
        r0 = s * RPT
        off = c * N
        pltpu.sync_copy(z_hbm.at[pl.ds(r0, RPT)], acc_sh.at[pl.ds(r0, RPT)])
        plsc.subcore_barrier()

        for half in range(2):
            t = s + half * TPS
            pltpu.sync_copy(src_hbm.at[t], src_v)
            pltpu.sync_copy(dst_hbm.at[t], dst_v)

            @pl.loop(0, CH)
            def _(r):
                @pl.loop(0, K, step=16)
                def _(i):
                    src_v[r, pl.ds(i, 16)] = src_v[r, pl.ds(i, 16)] + off

            _chunk_pass(x_hbm, src_v, dst_v, acc_sh, rows_v)

        plsc.subcore_barrier()
        pltpu.sync_copy(acc_sh.at[pl.ds(r0, RPT)],
                        out_hbm.at[c, pl.ds(r0, RPT)])

    return agg_kernel(src3, dst3, x2cat, zeros)


def _tc_prescale(x, dis_col):

    def body(x_ref, d_ref, o_ref):
        o_ref[...] = x_ref[...] * d_ref[...]

    return pl.pallas_call(
        body,
        grid=(NBLK,),
        in_specs=[
            pl.BlockSpec((BLK, DIN), lambda i: (i, 0)),
            pl.BlockSpec((BLK, 1), lambda i: (i, 0)),
        ],
        out_specs=pl.BlockSpec((BLK, DIN), lambda i: (i, 0)),
        out_shape=jax.ShapeDtypeStruct((N, DIN), jnp.float32),
    )(x, dis_col)


def _tc_layer1(a0, a1, xs, dis_col, W1, b1_row):

    def body(a0_ref, a1_ref, x_ref, d_ref, w, b, ylo, yhi):
        pre = (a0_ref[...] + a1_ref[...] + x_ref[...]) * d_ref[...]
        h = jnp.maximum(
            jnp.dot(pre, w[...], preferred_element_type=jnp.float32) + b[...],
            0.0)
        y = h * d_ref[...]
        ylo[...] = y[:, : H // 2]
        yhi[...] = y[:, H // 2:]

    return pl.pallas_call(
        body,
        grid=(NBLK,),
        in_specs=[
            pl.BlockSpec((BLK, DIN), lambda i: (i, 0)),
            pl.BlockSpec((BLK, DIN), lambda i: (i, 0)),
            pl.BlockSpec((BLK, DIN), lambda i: (i, 0)),
            pl.BlockSpec((BLK, 1), lambda i: (i, 0)),
            pl.BlockSpec((DIN, H), lambda i: (0, 0)),
            pl.BlockSpec((1, H), lambda i: (0, 0)),
        ],
        out_specs=[
            pl.BlockSpec((BLK, H // 2), lambda i: (i, 0)),
            pl.BlockSpec((BLK, H // 2), lambda i: (i, 0)),
        ],
        out_shape=[
            jax.ShapeDtypeStruct((N, H // 2), jnp.float32),
            jax.ShapeDtypeStruct((N, H // 2), jnp.float32),
        ],
    )(a0, a1, xs, dis_col, W1, b1_row)


def _tc_layer2_pool(agg_lo, agg_hi, xs_lo, xs_hi, dis_col, batch3,
                    W2, b2_row, Wfc, bfc_row):

    def body(alo, ahi, xlo, xhi, d, bt, w, b, wf, bf, out_ref, acc_s, acc_c):
        i = pl.program_id(0)

        @pl.when(i == 0)
        def _():
            acc_s[...] = jnp.zeros_like(acc_s)
            acc_c[...] = jnp.zeros_like(acc_c)

        pre = jnp.concatenate(
            [alo[...] + xlo[...], ahi[...] + xhi[...]], axis=1) * d[...]
        h = jnp.maximum(
            jnp.dot(pre, w[...], preferred_element_type=jnp.float32) + b[...],
            0.0)
        seg = bt[0]
        ids = lax.broadcasted_iota(jnp.int32, (B, BLK), 0)
        onehot = (ids == seg).astype(jnp.float32)
        acc_s[...] += jnp.dot(onehot, h, preferred_element_type=jnp.float32)
        acc_c[...] += jnp.sum(onehot, axis=1, keepdims=True)

        @pl.when(i == NBLK - 1)
        def _():
            pooled = acc_s[...] / jnp.maximum(acc_c[...], 1.0)
            out_ref[...] = (
                jnp.dot(pooled, wf[...], preferred_element_type=jnp.float32)
                + bf[...])

    half = H // 2
    return pl.pallas_call(
        body,
        grid=(NBLK,),
        in_specs=[
            pl.BlockSpec((BLK, half), lambda i: (i, 0)),
            pl.BlockSpec((BLK, half), lambda i: (i, 0)),
            pl.BlockSpec((BLK, half), lambda i: (i, 0)),
            pl.BlockSpec((BLK, half), lambda i: (i, 0)),
            pl.BlockSpec((BLK, 1), lambda i: (i, 0)),
            pl.BlockSpec((1, 1, BLK), lambda i: (i, 0, 0)),
            pl.BlockSpec((H, H), lambda i: (0, 0)),
            pl.BlockSpec((1, H), lambda i: (0, 0)),
            pl.BlockSpec((H, DOUT), lambda i: (0, 0)),
            pl.BlockSpec((1, DOUT), lambda i: (0, 0)),
        ],
        out_specs=pl.BlockSpec((B, DOUT), lambda i: (0, 0)),
        out_shape=jax.ShapeDtypeStruct((B, DOUT), jnp.float32),
        scratch_shapes=[
            pltpu.VMEM((B, H), jnp.float32),
            pltpu.VMEM((B, H), jnp.float32),
        ],
    )(agg_lo, agg_hi, xs_lo, xs_hi, dis_col, batch3, W2, b2_row, Wfc, bfc_row)


def kernel(x, edge_index, batch, W1, b1, W2, b2, Wfc, bfc):
    pad = jnp.arange(EP - E, dtype=jnp.int32)
    src3 = jnp.concatenate(
        [edge_index[0].astype(jnp.int32), pad % N]).reshape(NW, CH, K)
    dst3 = jnp.concatenate(
        [edge_index[1].astype(jnp.int32), N + pad % (NPAD - N)]
    ).reshape(NW, CH, K)
    batch3 = batch.astype(jnp.int32).reshape(NBLK, 1, BLK)

    degp = _sc_degree(dst3).reshape(NC, NPAD)
    deg = degp[0, :N] + degp[1, :N] + 1.0
    dis_col = lax.rsqrt(deg)[:, None]

    zeros = jnp.zeros((NPAD, DIN), jnp.float32)
    xs = _tc_prescale(x, dis_col)
    a = _sc_agg_edges(src3, dst3, xs, zeros)
    y_lo, y_hi = _tc_layer1(a[0, :N], a[1, :N], xs, dis_col, W1, b1[None, :])
    y2cat = jnp.concatenate([y_lo, y_hi], axis=0)
    agg = _sc_agg_feat(src3, dst3, y2cat, zeros)
    return _tc_layer2_pool(agg[0, :N], agg[1, :N], y_lo, y_hi, dis_col,
                           batch3, W2, b2[None, :], Wfc, bfc[None, :])

# --- scband reference (transcript-rebuilt; emitter-appended) ---
"""Pipeline reference for scband-gcn-70325794505412 (READ-ONLY COPY).

The authoritative reference and input builder live on the scoring server;
editing this copy changes nothing except your own understanding.
"""

import jax, jax.numpy as jnp
import numpy as np

N, E, DIN, H, DOUT, B = 10000, 320000, 128, 256, 128, 16


def setup_inputs(seed: int = 0) -> dict:
    key = jax.random.key(seed)
    ks = jax.random.split(key, 10)
    x = jax.random.normal(ks[0], (N, DIN), dtype=jnp.float32)
    edge_index = jax.random.randint(ks[1], (2, E), 0, N).astype(jnp.int64)
    batch = jnp.sort(jax.random.randint(ks[2], (N,), 0, B)).astype(jnp.int64)
    W1 = jax.random.normal(ks[3], (DIN, H), dtype=jnp.float32) * (1.0 / np.sqrt(DIN))
    b1 = jnp.zeros((H,), dtype=jnp.float32)
    W2 = jax.random.normal(ks[4], (H, H), dtype=jnp.float32) * (1.0 / np.sqrt(H))
    b2 = jnp.zeros((H,), dtype=jnp.float32)
    Wfc = jax.random.normal(ks[5], (H, DOUT), dtype=jnp.float32) * (1.0 / np.sqrt(H))
    bfc = jnp.zeros((DOUT,), dtype=jnp.float32)
    return {"x": x, "edge_index": edge_index, "batch": batch,
            "W1": W1, "b1": b1, "W2": W2, "b2": b2, "Wfc": Wfc, "bfc": bfc}


def _gcn_conv(x, edge_index, W, b):
    n = x.shape[0]
    loop = jnp.arange(n, dtype=edge_index.dtype)
    src = jnp.concatenate([edge_index[0], loop])
    dst = jnp.concatenate([edge_index[1], loop])
    deg = jnp.zeros((n,), x.dtype).at[dst].add(1.0)
    dis = jnp.where(deg > 0, jax.lax.rsqrt(jnp.maximum(deg, 1e-12)), 0.0)
    norm = dis[src] * dis[dst]
    xw = x @ W
    msgs = xw[src] * norm[:, None]
    out = jnp.zeros((n, W.shape[1]), x.dtype).at[dst].add(msgs)
    return out + b


def reference(x, edge_index, batch, W1, b1, W2, b2, Wfc, bfc):
    h = jax.nn.relu(_gcn_conv(x, edge_index, W1, b1))
    h = jax.nn.relu(_gcn_conv(h, edge_index, W2, b2))
    sums = jax.ops.segment_sum(h, batch, num_segments=B)
    cnts = jax.ops.segment_sum(jnp.ones((h.shape[0], 1), h.dtype), batch, num_segments=B)
    pooled = sums / jnp.maximum(cnts, 1.0)
    return pooled @ Wfc + bfc

if __name__ == "__main__":
    import jax
    _d = setup_inputs()
    print(jax.jit(kernel)(*tuple(_d.values())))

</pallas_src>

<mosaic_0001>
#map = affine_map<(d0, d1) -> (0, 0, 0)>
#map1 = affine_map<(d0, d1) -> (0)>
module attributes {stable_mosaic.version = 14 : i64} {
  func.func @deg_kernel(%arg0: i32, %arg1: i32, %arg2: memref<32x79x128xi32, #tpu.memory_space<hbm>>, %arg3: memref<20480xf32, #tpu.memory_space<hbm>>, %arg4: memref<79x128xi32, #tpu.memory_space<vmem>>, %arg5: memref<128xf32, #tpu.memory_space<vmem>>, %arg6: memref<640xf32, #tpu.memory_space<vmem>>, %arg7: memref<10240xf32, #tpu.memory_space<vmem_shared>>) attributes {dimension_semantics = [#tpu.dimension_semantics<core_parallel>, #tpu.dimension_semantics<subcore_parallel>], iteration_bounds = array<i64: 2, 16>, scalar_prefetch = 0 : i64, scratch_operands = 4 : i64, tpu.core_type = #tpu.core_type<sc_vector_subcore>, window_params = [{transform_indices = #map}, {transform_indices = #map1}]} {
    %mul3A = arith.constant 16 : i32
    %mul3A_0 = arith.muli %arg0, %mul3A : i32
    %add3A = arith.addi %mul3A_0, %arg1 : i32
    %scan3A = arith.constant 0 : i32
    %scan3A_1 = arith.constant 8 : i32
    %scan3A_2 = arith.addi %scan3A, %scan3A_1 : i32
    %scan3A_3 = arith.constant 1 : i32
    scf.for %scan3A_25 = %scan3A to %scan3A_2 step %scan3A_3  : i32 {
      %mul3A_26 = arith.constant 16 : i32
      %mul3A_27 = arith.muli %scan3A_25, %mul3A_26 : i32
      %add3A_28 = arith.constant 0 : i32
      %add3A_29 = arith.addi %add3A_28, %mul3A_27 : i32
      %broadcast_in_dim3A = arith.constant 1.000000e+00 : f32
      %broadcast_in_dim3A_30 = vector.broadcast %broadcast_in_dim3A : f32 to vector<16xf32>
      %swap3A = arith.index_cast %add3A_29 : i32 to index
      %swap3A_31 = tpu.vector_load %arg5[%swap3A] {strides = array<i32>} : memref<128xf32, #tpu.memory_space<vmem>>, vector<16xf32>,
      %swap3A_32 = vector.shape_cast %swap3A_31 : vector<16xf32> to vector<16xf32>
      %swap3A_33 = vector.shape_cast %broadcast_in_dim3A_30 : vector<16xf32> to vector<16xf32>
      tpu.vector_store %arg5[%swap3A], %swap3A_33 {strides = array<i32>} : memref<128xf32, #tpu.memory_space<vmem>>, vector<16xf32>,
    }
    %scan3A_4 = arith.constant 8 : i32
    %scan3A_5 = arith.constant 0 : i32
    %scan3A_6 = arith.constant 40 : i32
    %scan3A_7 = arith.addi %scan3A_5, %scan3A_6 : i32
    %scan3A_8 = arith.constant 1 : i32
    scf.for %scan3A_25 = %scan3A_5 to %scan3A_7 step %scan3A_8  : i32 {
      %mul3A_26 = arith.constant 16 : i32
      %mul3A_27 = arith.muli %scan3A_25, %mul3A_26 : i32
      %add3A_28 = arith.constant 0 : i32
      %add3A_29 = arith.addi %add3A_28, %mul3A_27 : i32
      %broadcast_in_dim3A = arith.constant 0.000000e+00 : f32
      %broadcast_in_dim3A_30 = vector.broadcast %broadcast_in_dim3A : f32 to vector<16xf32>
      %swap3A = arith.index_cast %add3A_29 : i32 to index
      %swap3A_31 = tpu.vector_load %arg6[%swap3A] {strides = array<i32>} : memref<640xf32, #tpu.memory_space<vmem>>, vector<16xf32>,
      %swap3A_32 = vector.shape_cast %swap3A_31 : vector<16xf32> to vector<16xf32>
      %swap3A_33 = vector.shape_cast %broadcast_in_dim3A_30 : vector<16xf32> to vector<16xf32>
      tpu.vector_store %arg6[%swap3A], %swap3A_33 {strides = array<i32>} : memref<640xf32, #tpu.memory_space<vmem>>, vector<16xf32>,
    }
    %scan3A_9 = arith.constant 40 : i32
    %mul3A_10 = arith.constant 640 : i32
    %mul3A_11 = arith.muli %arg1, %mul3A_10 : i32
    "tpu.region"() ({
      %run_scoped3A = tpu.sem_alloc : memref<!tpu.dma_semaphore, #tpu.memory_space<semaphore_mem>>
      %dma_start3A = tpu.memref_slice %arg7[%mul3A_11] : memref<10240xf32, #tpu.memory_space<vmem_shared>> -> memref<640xf32, #tpu.memory_space<vmem_shared>>
      %dma_start3A_25 = tpu.memref_slice %arg7[%mul3A_11] : memref<10240xf32, #tpu.memory_space<vmem_shared>> -> memref<640xf32, #tpu.memory_space<vmem_shared>>
      tpu.enqueue_dma source(%arg6 : memref<640xf32, #tpu.memory_space<vmem>>) target(%dma_start3A_25 : memref<640xf32, #tpu.memory_space<vmem_shared>>) target_semaphore(%run_scoped3A : memref<!tpu.dma_semaphore, #tpu.memory_space<semaphore_mem>>)
      %dma_wait3A = tpu.memref_slice %arg7[%mul3A_11] : memref<10240xf32, #tpu.memory_space<vmem_shared>> -> memref<640xf32, #tpu.memory_space<vmem_shared>>
      %dma_wait3A_26 = tpu.memref_slice %arg7[%mul3A_11] : memref<10240xf32, #tpu.memory_space<vmem_shared>> -> memref<640xf32, #tpu.memory_space<vmem_shared>>
      tpu.wait_dma2 semaphore(%run_scoped3A : memref<!tpu.dma_semaphore, #tpu.memory_space<semaphore_mem>>) src(%arg6 : memref<640xf32, #tpu.memory_space<vmem>>) dst(%dma_wait3A_26 : memref<640xf32, #tpu.memory_space<vmem_shared>>)
      tpu.yield
    }) : () -> ()
    "tpu.region"() ({
      %run_scoped3A = tpu.sem_alloc : memref<!tpu.dma_semaphore, #tpu.memory_space<semaphore_mem>>
      %dma_start3A = arith.constant 0 : i32
      %dma_start3A_25 = arith.constant 0 : i32
      %dma_start3A_26 = tpu.memref_slice %arg2[%add3A, %dma_start3A, %dma_start3A_25] : memref<32x79x128xi32, #tpu.memory_space<hbm>> -> memref<1x79x128xi32, #tpu.memory_space<hbm>>
      %dma_start3A_27 = tpu.memref_squeeze %dma_start3A_26 : memref<1x79x128xi32, #tpu.memory_space<hbm>> -> memref<79x128xi32, #tpu.memory_space<hbm>>
      %dma_start3A_28 = arith.constant 0 : i32
      %dma_start3A_29 = arith.constant 0 : i32
      %dma_start3A_30 = tpu.memref_slice %arg2[%add3A, %dma_start3A_28, %dma_start3A_29] : memref<32x79x128xi32, #tpu.memory_space<hbm>> -> memref<1x79x128xi32, #tpu.memory_space<hbm>>
      %dma_start3A_31 = tpu.memref_squeeze %dma_start3A_30 : memref<1x79x128xi32, #tpu.memory_space<hbm>> -> memref<79x128xi32, #tpu.memory_space<hbm>>
      tpu.enqueue_dma source(%dma_start3A_31 : memref<79x128xi32, #tpu.memory_space<hbm>>) target(%arg4 : memref<79x128xi32, #tpu.memory_space<vmem>>) target_semaphore(%run_scoped3A : memref<!tpu.dma_semaphore, #tpu.memory_space<semaphore_mem>>)
      %dma_wait3A = arith.constant 0 : i32
      %dma_wait3A_32 = arith.constant 0 : i32
      %dma_wait3A_33 = tpu.memref_slice %arg2[%add3A, %dma_wait3A, %dma_wait3A_32] : memref<32x79x128xi32, #tpu.memory_space<hbm>> -> memref<1x79x128xi32, #tpu.memory_space<hbm>>
      %dma_wait3A_34 = tpu.memref_squeeze %dma_wait3A_33 : memref<1x79x128xi32, #tpu.memory_space<hbm>> -> memref<79x128xi32, #tpu.memory_space<hbm>>
      %dma_wait3A_35 = arith.constant 0 : i32
      %dma_wait3A_36 = arith.constant 0 : i32
      %dma_wait3A_37 = tpu.memref_slice %arg2[%add3A, %dma_wait3A_35, %dma_wait3A_36] : memref<32x79x128xi32, #tpu.memory_space<hbm>> -> memref<1x79x128xi32, #tpu.memory_space<hbm>>
      %dma_wait3A_38 = tpu.memref_squeeze %dma_wait3A_37 : memref<1x79x128xi32, #tpu.memory_space<hbm>> -> memref<79x128xi32, #tpu.memory_space<hbm>>
      tpu.wait_dma2 semaphore(%run_scoped3A : memref<!tpu.dma_semaphore, #tpu.memory_space<semaphore_mem>>) src(%dma_wait3A_38 : memref<79x128xi32, #tpu.memory_space<hbm>>) dst(%arg4 : memref<79x128xi32, #tpu.memory_space<vmem>>)
      tpu.yield
    }) : () -> ()
    %barrier3A = arith.constant 0 : index
    tpu.barrier barrier_id(%barrier3A)
    %scan3A_12 = arith.constant 0 : i32
    %scan3A_13 = arith.constant 79 : i32
    %scan3A_14 = arith.addi %scan3A_12, %scan3A_13 : i32
    %scan3A_15 = arith.constant 1 : i32
    scf.for %scan3A_25 = %scan3A_12 to %scan3A_14 step %scan3A_15  : i32 {
      %mul3A_26 = arith.constant 1 : i32
      %mul3A_27 = arith.muli %scan3A_25, %mul3A_26 : i32
      %add3A_28 = arith.constant 0 : i32
      %add3A_29 = arith.addi %add3A_28, %mul3A_27 : i32
      "tpu.region"() ({
        %run_scoped3A = tpu.sem_alloc : memref<!tpu.dma_semaphore, #tpu.memory_space<semaphore_mem>>
        %dma_start3A = arith.constant 0 : i32
        %dma_start3A_30 = tpu.memref_slice %arg4[%add3A_29, %dma_start3A] : memref<79x128xi32, #tpu.memory_space<vmem>> -> memref<1x128xi32, #tpu.memory_space<vmem>>
        %dma_start3A_31 = tpu.memref_squeeze %dma_start3A_30 : memref<1x128xi32, #tpu.memory_space<vmem>> -> memref<128xi32, #tpu.memory_space<vmem>>
        %dma_start3A_32 = arith.constant 0 : i32
        %dma_start3A_33 = tpu.memref_slice %arg7[%dma_start3A_32] : memref<10240xf32, #tpu.memory_space<vmem_shared>> -> memref<10240xf32, #tpu.memory_space<vmem_shared>>
        tpu.enqueue_indirect_dma source(%arg5 : memref<128xf32, #tpu.memory_space<vmem>>) target(%dma_start3A_33 : memref<10240xf32, #tpu.memory_space<vmem_shared>>) offsets(%dma_start3A_31 : memref<128xi32, #tpu.memory_space<vmem>>) semaphore(%run_scoped3A : memref<!tpu.dma_semaphore, #tpu.memory_space<semaphore_mem>>) {add = true}
        %dma_wait3A = arith.constant 0 : i32
        %dma_wait3A_34 = tpu.memref_slice %arg4[%add3A_29, %dma_wait3A] : memref<79x128xi32, #tpu.memory_space<vmem>> -> memref<1x128xi32, #tpu.memory_space<vmem>>
        %dma_wait3A_35 = tpu.memref_squeeze %dma_wait3A_34 : memref<1x128xi32, #tpu.memory_space<vmem>> -> memref<128xi32, #tpu.memory_space<vmem>>
        %dma_wait3A_36 = arith.constant 0 : i32
        %dma_wait3A_37 = tpu.memref_slice %arg7[%dma_wait3A_36] : memref<10240xf32, #tpu.memory_space<vmem_shared>> -> memref<10240xf32, #tpu.memory_space<vmem_shared>>
        tpu.wait_indirect_dma semaphore(%run_scoped3A : memref<!tpu.dma_semaphore, #tpu.memory_space<semaphore_mem>>) src(%arg5 : memref<128xf32, #tpu.memory_space<vmem>>) dst(%dma_wait3A_37 : memref<10240xf32, #tpu.memory_space<vmem_shared>>)
        tpu.yield
      }) : () -> ()
    }
    %scan3A_16 = arith.constant 79 : i32
    %barrier3A_17 = arith.constant 0 : index
    tpu.barrier barrier_id(%barrier3A_17)
    %mul3A_18 = arith.constant 640 : i32
    %mul3A_19 = arith.muli %arg1, %mul3A_18 : i32
    %mul3A_20 = arith.constant 10240 : i32
    %mul3A_21 = arith.muli %arg0, %mul3A_20 : i32
    %mul3A_22 = arith.constant 640 : i32
    %mul3A_23 = arith.muli %arg1, %mul3A_22 : i32
    %add3A_24 = arith.addi %mul3A_21, %mul3A_23 : i32
    "tpu.region"() ({
      %run_scoped3A = tpu.sem_alloc : memref<!tpu.dma_semaphore, #tpu.memory_space<semaphore_mem>>
      %dma_start3A = tpu.memref_slice %arg3[%add3A_24] : memref<20480xf32, #tpu.memory_space<hbm>> -> memref<640xf32, #tpu.memory_space<hbm>>
      %dma_start3A_25 = tpu.memref_slice %arg7[%mul3A_19] : memref<10240xf32, #tpu.memory_space<vmem_shared>> -> memref<640xf32, #tpu.memory_space<vmem_shared>>
      tpu.enqueue_dma source(%dma_start3A_25 : memref<640xf32, #tpu.memory_space<vmem_shared>>) target(%dma_start3A : memref<640xf32, #tpu.memory_space<hbm>>) target_semaphore(%run_scoped3A : memref<!tpu.dma_semaphore, #tpu.memory_space<semaphore_mem>>)
      %dma_wait3A = tpu.memref_slice %arg3[%add3A_24] : memref<20480xf32, #tpu.memory_space<hbm>> -> memref<640xf32, #tpu.memory_space<hbm>>
      %dma_wait3A_26 = tpu.memref_slice %arg7[%mul3A_19] : memref<10240xf32, #tpu.memory_space<vmem_shared>> -> memref<640xf32, #tpu.memory_space<vmem_shared>>
      tpu.wait_dma2 semaphore(%run_scoped3A : memref<!tpu.dma_semaphore, #tpu.memory_space<semaphore_mem>>) src(%dma_wait3A_26 : memref<640xf32, #tpu.memory_space<vmem_shared>>) dst(%dma_wait3A : memref<640xf32, #tpu.memory_space<hbm>>)
      tpu.yield
    }) : () -> ()
    return
  }
}

#map = affine_map<(d0, d1) -> (0, 0, 0)>
#map1 = affine_map<(d0, d1) -> (0, 0)>
module attributes {stable_mosaic.version = 14 : i64} {
  func.func @agg_kernel(%arg0: i32, %arg1: i32, %arg2: memref<32x79x128xi32, #tpu.memory_space<hbm>>, %arg3: memref<32x79x128xi32, #tpu.memory_space<hbm>>, %arg4: memref<20000x128xf32, #tpu.memory_space<hbm>>, %arg5: memref<10240x128xf32, #tpu.memory_space<hbm>>, %arg6: memref<2x10240x128xf32, #tpu.memory_space<hbm>>, %arg7: memref<79x128xi32, #tpu.memory_space<vmem>>, %arg8: memref<79x128xi32, #tpu.memory_space<vmem>>, %arg9: memref<128x128xf32, #tpu.memory_space<vmem>>, %arg10: memref<10240x128xf32, #tpu.memory_space<vmem_shared>>) attributes {dimension_semantics = [#tpu.dimension_semantics<core_parallel>, #tpu.dimension_semantics<subcore_parallel>], iteration_bounds = array<i64: 2, 16>, scalar_prefetch = 0 : i64, scratch_operands = 4 : i64, tpu.core_type = #tpu.core_type<sc_vector_subcore>, window_params = [{transform_indices = #map}, {transform_indices = #map}, {transform_indices = #map1}, {transform_indices = #map1}, {transform_indices = #map}]} {
    %mul3A = arith.constant 640 : i32
    %mul3A_0 = arith.muli %arg1, %mul3A : i32
    %mul3A_1 = arith.constant 10000 : i32
    %mul3A_2 = arith.muli %arg0, %mul3A_1 : i32
    "tpu.region"() ({
      %run_scoped3A = tpu.sem_alloc : memref<!tpu.dma_semaphore, #tpu.memory_space<semaphore_mem>>
      %dma_start3A = arith.constant 0 : i32
      %dma_start3A_26 = tpu.memref_slice %arg10[%mul3A_0, %dma_start3A] : memref<10240x128xf32, #tpu.memory_space<vmem_shared>> -> memref<640x128xf32, #tpu.memory_space<vmem_shared>>
      %dma_start3A_27 = arith.constant 0 : i32
      %dma_start3A_28 = tpu.memref_slice %arg5[%mul3A_0, %dma_start3A_27] : memref<10240x128xf32, #tpu.memory_space<hbm>> -> memref<640x128xf32, #tpu.memory_space<hbm>>
      tpu.enqueue_dma source(%dma_start3A_28 : memref<640x128xf32, #tpu.memory_space<hbm>>) target(%dma_start3A_26 : memref<640x128xf32, #tpu.memory_space<vmem_shared>>) target_semaphore(%run_scoped3A : memref<!tpu.dma_semaphore, #tpu.memory_space<semaphore_mem>>)
      %dma_wait3A = arith.constant 0 : i32
      %dma_wait3A_29 = tpu.memref_slice %arg10[%mul3A_0, %dma_wait3A] : memref<10240x128xf32, #tpu.memory_space<vmem_shared>> -> memref<640x128xf32, #tpu.memory_space<vmem_shared>>
      %dma_wait3A_30 = arith.constant 0 : i32
      %dma_wait3A_31 = tpu.memref_slice %arg5[%mul3A_0, %dma_wait3A_30] : memref<10240x128xf32, #tpu.memory_space<hbm>> -> memref<640x128xf32, #tpu.memory_space<hbm>>
      tpu.wait_dma2 semaphore(%run_scoped3A : memref<!tpu.dma_semaphore, #tpu.memory_space<semaphore_mem>>) src(%dma_wait3A_31 : memref<640x128xf32, #tpu.memory_space<hbm>>) dst(%dma_wait3A_29 : memref<640x128xf32, #tpu.memory_space<vmem_shared>>)
      tpu.yield
    }) : () -> ()
    %barrier3A = arith.constant 0 : index
    tpu.barrier barrier_id(%barrier3A)
    %add3A = arith.constant 0 : i32
    %add3A_3 = arith.addi %arg1, %add3A : i32
    "tpu.region"() ({
      %run_scoped3A = tpu.sem_alloc : memref<!tpu.dma_semaphore, #tpu.memory_space<semaphore_mem>>
      %dma_start3A = arith.constant 0 : i32
      %dma_start3A_26 = arith.constant 0 : i32
      %dma_start3A_27 = tpu.memref_slice %arg2[%add3A_3, %dma_start3A, %dma_start3A_26] : memref<32x79x128xi32, #tpu.memory_space<hbm>> -> memref<1x79x128xi32, #tpu.memory_space<hbm>>
      %dma_start3A_28 = tpu.memref_squeeze %dma_start3A_27 : memref<1x79x128xi32, #tpu.memory_space<hbm>> -> memref<79x128xi32, #tpu.memory_space<hbm>>
      %dma_start3A_29 = arith.constant 0 : i32
      %dma_start3A_30 = arith.constant 0 : i32
      %dma_start3A_31 = tpu.memref_slice %arg2[%add3A_3, %dma_start3A_29, %dma_start3A_30] : memref<32x79x128xi32, #tpu.memory_space<hbm>> -> memref<1x79x128xi32, #tpu.memory_space<hbm>>
      %dma_start3A_32 = tpu.memref_squeeze %dma_start3A_31 : memref<1x79x128xi32, #tpu.memory_space<hbm>> -> memref<79x128xi32, #tpu.memory_space<hbm>>
      tpu.enqueue_dma source(%dma_start3A_32 : memref<79x128xi32, #tpu.memory_space<hbm>>) target(%arg7 : memref<79x128xi32, #tpu.memory_space<vmem>>) target_semaphore(%run_scoped3A : memref<!tpu.dma_semaphore, #tpu.memory_space<semaphore_mem>>)
      %dma_wait3A = arith.constant 0 : i32
      %dma_wait3A_33 = arith.constant 0 : i32
      %dma_wait3A_34 = tpu.memref_slice %arg2[%add3A_3, %dma_wait3A, %dma_wait3A_33] : memref<32x79x128xi32, #tpu.memory_space<hbm>> -> memref<1x79x128xi32, #tpu.memory_space<hbm>>
      %dma_wait3A_35 = tpu.memref_squeeze %dma_wait3A_34 : memref<1x79x128xi32, #tpu.memory_space<hbm>> -> memref<79x128xi32, #tpu.memory_space<hbm>>
      %dma_wait3A_36 = arith.constant 0 : i32
      %dma_wait3A_37 = arith.constant 0 : i32
      %dma_wait3A_38 = tpu.memref_slice %arg2[%add3A_3, %dma_wait3A_36, %dma_wait3A_37] : memref<32x79x128xi32, #tpu.memory_space<hbm>> -> memref<1x79x128xi32, #tpu.memory_space<hbm>>
      %dma_wait3A_39 = tpu.memref_squeeze %dma_wait3A_38 : memref<1x79x128xi32, #tpu.memory_space<hbm>> -> memref<79x128xi32, #tpu.memory_space<hbm>>
      tpu.wait_dma2 semaphore(%run_scoped3A : memref<!tpu.dma_semaphore, #tpu.memory_space<semaphore_mem>>) src(%dma_wait3A_39 : memref<79x128xi32, #tpu.memory_space<hbm>>) dst(%arg7 : memref<79x128xi32, #tpu.memory_space<vmem>>)
      tpu.yield
    }) : () -> ()
    "tpu.region"() ({
      %run_scoped3A = tpu.sem_alloc : memref<!tpu.dma_semaphore, #tpu.memory_space<semaphore_mem>>
      %dma_start3A = arith.constant 0 : i32
      %dma_start3A_26 = arith.constant 0 : i32
      %dma_start3A_27 = tpu.memref_slice %arg3[%add3A_3, %dma_start3A, %dma_start3A_26] : memref<32x79x128xi32, #tpu.memory_space<hbm>> -> memref<1x79x128xi32, #tpu.memory_space<hbm>>
      %dma_start3A_28 = tpu.memref_squeeze %dma_start3A_27 : memref<1x79x128xi32, #tpu.memory_space<hbm>> -> memref<79x128xi32, #tpu.memory_space<hbm>>
      %dma_start3A_29 = arith.constant 0 : i32
      %dma_start3A_30 = arith.constant 0 : i32
      %dma_start3A_31 = tpu.memref_slice %arg3[%add3A_3, %dma_start3A_29, %dma_start3A_30] : memref<32x79x128xi32, #tpu.memory_space<hbm>> -> memref<1x79x128xi32, #tpu.memory_space<hbm>>
      %dma_start3A_32 = tpu.memref_squeeze %dma_start3A_31 : memref<1x79x128xi32, #tpu.memory_space<hbm>> -> memref<79x128xi32, #tpu.memory_space<hbm>>
      tpu.enqueue_dma source(%dma_start3A_32 : memref<79x128xi32, #tpu.memory_space<hbm>>) target(%arg8 : memref<79x128xi32, #tpu.memory_space<vmem>>) target_semaphore(%run_scoped3A : memref<!tpu.dma_semaphore, #tpu.memory_space<semaphore_mem>>)
      %dma_wait3A = arith.constant 0 : i32
      %dma_wait3A_33 = arith.constant 0 : i32
      %dma_wait3A_34 = tpu.memref_slice %arg3[%add3A_3, %dma_wait3A, %dma_wait3A_33] : memref<32x79x128xi32, #tpu.memory_space<hbm>> -> memref<1x79x128xi32, #tpu.memory_space<hbm>>
      %dma_wait3A_35 = tpu.memref_squeeze %dma_wait3A_34 : memref<1x79x128xi32, #tpu.memory_space<hbm>> -> memref<79x128xi32, #tpu.memory_space<hbm>>
      %dma_wait3A_36 = arith.constant 0 : i32
      %dma_wait3A_37 = arith.constant 0 : i32
      %dma_wait3A_38 = tpu.memref_slice %arg3[%add3A_3, %dma_wait3A_36, %dma_wait3A_37] : memref<32x79x128xi32, #tpu.memory_space<hbm>> -> memref<1x79x128xi32, #tpu.memory_space<hbm>>
      %dma_wait3A_39 = tpu.memref_squeeze %dma_wait3A_38 : memref<1x79x128xi32, #tpu.memory_space<hbm>> -> memref<79x128xi32, #tpu.memory_space<hbm>>
      tpu.wait_dma2 semaphore(%run_scoped3A : memref<!tpu.dma_semaphore, #tpu.memory_space<semaphore_mem>>) src(%dma_wait3A_39 : memref<79x128xi32, #tpu.memory_space<hbm>>) dst(%arg8 : memref<79x128xi32, #tpu.memory_space<vmem>>)
      tpu.yield
    }) : () -> ()
    %scan3A = arith.constant 0 : i32
    %scan3A_4 = arith.constant 79 : i32
    %scan3A_5 = arith.addi %scan3A, %scan3A_4 : i32
    %scan3A_6 = arith.constant 1 : i32
    scf.for %scan3A_26 = %scan3A to %scan3A_5 step %scan3A_6  : i32 {
      %mul3A_27 = arith.constant 1 : i32
      %mul3A_28 = arith.muli %scan3A_26, %mul3A_27 : i32
      %add3A_29 = arith.constant 0 : i32
      %add3A_30 = arith.addi %add3A_29, %mul3A_28 : i32
      %scan3A_31 = arith.constant 0 : i32
      %scan3A_32 = arith.constant 8 : i32
      %scan3A_33 = arith.addi %scan3A_31, %scan3A_32 : i32
      %scan3A_34 = arith.constant 1 : i32
      scf.for %scan3A_36 = %scan3A_31 to %scan3A_33 step %scan3A_34  : i32 {
        %mul3A_37 = arith.constant 16 : i32
        %mul3A_38 = arith.muli %scan3A_36, %mul3A_37 : i32
        %add3A_39 = arith.constant 0 : i32
        %add3A_40 = arith.addi %add3A_39, %mul3A_38 : i32
        %get3A = arith.index_cast %add3A_30 : i32 to index
        %get3A_41 = arith.index_cast %add3A_40 : i32 to index
        %get3A_42 = tpu.vector_load %arg7[%get3A, %get3A_41] {strides = array<i32>} : memref<79x128xi32, #tpu.memory_space<vmem>>, vector<1x16xi32>,
        %get3A_43 = vector.shape_cast %get3A_42 : vector<1x16xi32> to vector<16xi32>
        %add3A_44 = vector.broadcast %mul3A_2 : i32 to vector<16xi32>
        %add3A_45 = arith.addi %get3A_43, %add3A_44 : vector<16xi32>
        %swap3A = arith.index_cast %add3A_30 : i32 to index
        %swap3A_46 = arith.index_cast %add3A_40 : i32 to index
        %swap3A_47 = tpu.vector_load %arg7[%swap3A, %swap3A_46] {strides = array<i32>} : memref<79x128xi32, #tpu.memory_space<vmem>>, vector<1x16xi32>,
        %swap3A_48 = vector.shape_cast %swap3A_47 : vector<1x16xi32> to vector<16xi32>
        %swap3A_49 = vector.shape_cast %add3A_45 : vector<16xi32> to vector<1x16xi32>
        tpu.vector_store %arg7[%swap3A, %swap3A_46], %swap3A_49 {strides = array<i32>} : memref<79x128xi32, #tpu.memory_space<vmem>>, vector<1x16xi32>,
      }
      %scan3A_35 = arith.constant 8 : i32
    }
    %scan3A_7 = arith.constant 79 : i32
    %scan3A_8 = arith.constant 0 : i32
    %scan3A_9 = arith.constant 79 : i32
    %scan3A_10 = arith.addi %scan3A_8, %scan3A_9 : i32
    %scan3A_11 = arith.constant 1 : i32
    scf.for %scan3A_26 = %scan3A_8 to %scan3A_10 step %scan3A_11  : i32 {
      %mul3A_27 = arith.constant 1 : i32
      %mul3A_28 = arith.muli %scan3A_26, %mul3A_27 : i32
      %add3A_29 = arith.constant 0 : i32
      %add3A_30 = arith.addi %add3A_29, %mul3A_28 : i32
      "tpu.region"() ({
        %run_scoped3A = tpu.sem_alloc : memref<!tpu.dma_semaphore, #tpu.memory_space<semaphore_mem>>
        %dma_start3A = arith.constant 0 : i32
        %dma_start3A_31 = tpu.memref_slice %arg7[%add3A_30, %dma_start3A] : memref<79x128xi32, #tpu.memory_space<vmem>> -> memref<1x128xi32, #tpu.memory_space<vmem>>
        %dma_start3A_32 = tpu.memref_squeeze %dma_start3A_31 : memref<1x128xi32, #tpu.memory_space<vmem>> -> memref<128xi32, #tpu.memory_space<vmem>>
        %dma_start3A_33 = arith.constant 0 : i32
        %dma_start3A_34 = arith.constant 0 : i32
        %dma_start3A_35 = tpu.memref_slice %arg4[%dma_start3A_33, %dma_start3A_34] : memref<20000x128xf32, #tpu.memory_space<hbm>> -> memref<20000x128xf32, #tpu.memory_space<hbm>>
        tpu.enqueue_indirect_dma source(%dma_start3A_35 : memref<20000x128xf32, #tpu.memory_space<hbm>>) target(%arg9 : memref<128x128xf32, #tpu.memory_space<vmem>>) offsets(%dma_start3A_32 : memref<128xi32, #tpu.memory_space<vmem>>) semaphore(%run_scoped3A : memref<!tpu.dma_semaphore, #tpu.memory_space<semaphore_mem>>)
        %dma_wait3A = arith.constant 0 : i32
        %dma_wait3A_36 = tpu.memref_slice %arg7[%add3A_30, %dma_wait3A] : memref<79x128xi32, #tpu.memory_space<vmem>> -> memref<1x128xi32, #tpu.memory_space<vmem>>
        %dma_wait3A_37 = tpu.memref_squeeze %dma_wait3A_36 : memref<1x128xi32, #tpu.memory_space<vmem>> -> memref<128xi32, #tpu.memory_space<vmem>>
        %dma_wait3A_38 = arith.constant 0 : i32
        %dma_wait3A_39 = arith.constant 0 : i32
        %dma_wait3A_40 = tpu.memref_slice %arg4[%dma_wait3A_38, %dma_wait3A_39] : memref<20000x128xf32, #tpu.memory_space<hbm>> -> memref<20000x128xf32, #tpu.memory_space<hbm>>
        tpu.wait_indirect_dma semaphore(%run_scoped3A : memref<!tpu.dma_semaphore, #tpu.memory_space<semaphore_mem>>) src(%dma_wait3A_40 : memref<20000x128xf32, #tpu.memory_space<hbm>>) dst(%arg9 : memref<128x128xf32, #tpu.memory_space<vmem>>)
        tpu.yield
      }) : () -> ()
      "tpu.region"() ({
        %run_scoped3A = tpu.sem_alloc : memref<!tpu.dma_semaphore, #tpu.memory_space<semaphore_mem>>
        %dma_start3A = arith.constant 0 : i32
        %dma_start3A_31 = tpu.memref_slice %arg8[%add3A_30, %dma_start3A] : memref<79x128xi32, #tpu.memory_space<vmem>> -> memref<1x128xi32, #tpu.memory_space<vmem>>
        %dma_start3A_32 = tpu.memref_squeeze %dma_start3A_31 : memref<1x128xi32, #tpu.memory_space<vmem>> -> memref<128xi32, #tpu.memory_space<vmem>>
        %dma_start3A_33 = arith.constant 0 : i32
        %dma_start3A_34 = arith.constant 0 : i32
        %dma_start3A_35 = tpu.memref_slice %arg10[%dma_start3A_33, %dma_start3A_34] : memref<10240x128xf32, #tpu.memory_space<vmem_shared>> -> memref<10240x128xf32, #tpu.memory_space<vmem_shared>>
        tpu.enqueue_indirect_dma source(%arg9 : memref<128x128xf32, #tpu.memory_space<vmem>>) target(%dma_start3A_35 : memref<10240x128xf32, #tpu.memory_space<vmem_shared>>) offsets(%dma_start3A_32 : memref<128xi32, #tpu.memory_space<vmem>>) semaphore(%run_scoped3A : memref<!tpu.dma_semaphore, #tpu.memory_space<semaphore_mem>>) {add = true}
        %dma_wait3A = arith.constant 0 : i32
        %dma_wait3A_36 = tpu.memref_slice %arg8[%add3A_30, %dma_wait3A] : memref<79x128xi32, #tpu.memory_space<vmem>> -> memref<1x128xi32, #tpu.memory_space<vmem>>
        %dma_wait3A_37 = tpu.memref_squeeze %dma_wait3A_36 : memref<1x128xi32, #tpu.memory_space<vmem>> -> memref<128xi32, #tpu.memory_space<vmem>>
        %dma_wait3A_38 = arith.constant 0 : i32
        %dma_wait3A_39 = arith.constant 0 : i32
        %dma_wait3A_40 = tpu.memref_slice %arg10[%dma_wait3A_38, %dma_wait3A_39] : memref<10240x128xf32, #tpu.memory_space<vmem_shared>> -> memref<10240x128xf32, #tpu.memory_space<vmem_shared>>
        tpu.wait_indirect_dma semaphore(%run_scoped3A : memref<!tpu.dma_semaphore, #tpu.memory_space<semaphore_mem>>) src(%arg9 : memref<128x128xf32, #tpu.memory_space<vmem>>) dst(%dma_wait3A_40 : memref<10240x128xf32, #tpu.memory_space<vmem_shared>>)
        tpu.yield
      }) : () -> ()
    }
    %scan3A_12 = arith.constant 79 : i32
    %add3A_13 = arith.constant 16 : i32
    %add3A_14 = arith.addi %arg1, %add3A_13 : i32
    "tpu.region"() ({
      %run_scoped3A = tpu.sem_alloc : memref<!tpu.dma_semaphore, #tpu.memory_space<semaphore_mem>>
      %dma_start3A = arith.constant 0 : i32
      %dma_start3A_26 = arith.constant 0 : i32
      %dma_start3A_27 = tpu.memref_slice %arg2[%add3A_14, %dma_start3A, %dma_start3A_26] : memref<32x79x128xi32, #tpu.memory_space<hbm>> -> memref<1x79x128xi32, #tpu.memory_space<hbm>>
      %dma_start3A_28 = tpu.memref_squeeze %dma_start3A_27 : memref<1x79x128xi32, #tpu.memory_space<hbm>> -> memref<79x128xi32, #tpu.memory_space<hbm>>
      %dma_start3A_29 = arith.constant 0 : i32
      %dma_start3A_30 = arith.constant 0 : i32
      %dma_start3A_31 = tpu.memref_slice %arg2[%add3A_14, %dma_start3A_29, %dma_start3A_30] : memref<32x79x128xi32, #tpu.memory_space<hbm>> -> memref<1x79x128xi32, #tpu.memory_space<hbm>>
      %dma_start3A_32 = tpu.memref_squeeze %dma_start3A_31 : memref<1x79x128xi32, #tpu.memory_space<hbm>> -> memref<79x128xi32, #tpu.memory_space<hbm>>
      tpu.enqueue_dma source(%dma_start3A_32 : memref<79x128xi32, #tpu.memory_space<hbm>>) target(%arg7 : memref<79x128xi32, #tpu.memory_space<vmem>>) target_semaphore(%run_scoped3A : memref<!tpu.dma_semaphore, #tpu.memory_space<semaphore_mem>>)
      %dma_wait3A = arith.constant 0 : i32
      %dma_wait3A_33 = arith.constant 0 : i32
      %dma_wait3A_34 = tpu.memref_slice %arg2[%add3A_14, %dma_wait3A, %dma_wait3A_33] : memref<32x79x128xi32, #tpu.memory_space<hbm>> -> memref<1x79x128xi32, #tpu.memory_space<hbm>>
      %dma_wait3A_35 = tpu.memref_squeeze %dma_wait3A_34 : memref<1x79x128xi32, #tpu.memory_space<hbm>> -> memref<79x128xi32, #tpu.memory_space<hbm>>
      %dma_wait3A_36 = arith.constant 0 : i32
      %dma_wait3A_37 = arith.constant 0 : i32
      %dma_wait3A_38 = tpu.memref_slice %arg2[%add3A_14, %dma_wait3A_36, %dma_wait3A_37] : memref<32x79x128xi32, #tpu.memory_space<hbm>> -> memref<1x79x128xi32, #tpu.memory_space<hbm>>
      %dma_wait3A_39 = tpu.memref_squeeze %dma_wait3A_38 : memref<1x79x128xi32, #tpu.memory_space<hbm>> -> memref<79x128xi32, #tpu.memory_space<hbm>>
      tpu.wait_dma2 semaphore(%run_scoped3A : memref<!tpu.dma_semaphore, #tpu.memory_space<semaphore_mem>>) src(%dma_wait3A_39 : memref<79x128xi32, #tpu.memory_space<hbm>>) dst(%arg7 : memref<79x128xi32, #tpu.memory_space<vmem>>)
      tpu.yield
    }) : () -> ()
    "tpu.region"() ({
      %run_scoped3A = tpu.sem_alloc : memref<!tpu.dma_semaphore, #tpu.memory_space<semaphore_mem>>
      %dma_start3A = arith.constant 0 : i32
      %dma_start3A_26 = arith.constant 0 : i32
      %dma_start3A_27 = tpu.memref_slice %arg3[%add3A_14, %dma_start3A, %dma_start3A_26] : memref<32x79x128xi32, #tpu.memory_space<hbm>> -> memref<1x79x128xi32, #tpu.memory_space<hbm>>
      %dma_start3A_28 = tpu.memref_squeeze %dma_start3A_27 : memref<1x79x128xi32, #tpu.memory_space<hbm>> -> memref<79x128xi32, #tpu.memory_space<hbm>>
      %dma_start3A_29 = arith.constant 0 : i32
      %dma_start3A_30 = arith.constant 0 : i32
      %dma_start3A_31 = tpu.memref_slice %arg3[%add3A_14, %dma_start3A_29, %dma_start3A_30] : memref<32x79x128xi32, #tpu.memory_space<hbm>> -> memref<1x79x128xi32, #tpu.memory_space<hbm>>
      %dma_start3A_32 = tpu.memref_squeeze %dma_start3A_31 : memref<1x79x128xi32, #tpu.memory_space<hbm>> -> memref<79x128xi32, #tpu.memory_space<hbm>>
      tpu.enqueue_dma source(%dma_start3A_32 : memref<79x128xi32, #tpu.memory_space<hbm>>) target(%arg8 : memref<79x128xi32, #tpu.memory_space<vmem>>) target_semaphore(%run_scoped3A : memref<!tpu.dma_semaphore, #tpu.memory_space<semaphore_mem>>)
      %dma_wait3A = arith.constant 0 : i32
      %dma_wait3A_33 = arith.constant 0 : i32
      %dma_wait3A_34 = tpu.memref_slice %arg3[%add3A_14, %dma_wait3A, %dma_wait3A_33] : memref<32x79x128xi32, #tpu.memory_space<hbm>> -> memref<1x79x128xi32, #tpu.memory_space<hbm>>
      %dma_wait3A_35 = tpu.memref_squeeze %dma_wait3A_34 : memref<1x79x128xi32, #tpu.memory_space<hbm>> -> memref<79x128xi32, #tpu.memory_space<hbm>>
      %dma_wait3A_36 = arith.constant 0 : i32
      %dma_wait3A_37 = arith.constant 0 : i32
      %dma_wait3A_38 = tpu.memref_slice %arg3[%add3A_14, %dma_wait3A_36, %dma_wait3A_37] : memref<32x79x128xi32, #tpu.memory_space<hbm>> -> memref<1x79x128xi32, #tpu.memory_space<hbm>>
      %dma_wait3A_39 = tpu.memref_squeeze %dma_wait3A_38 : memref<1x79x128xi32, #tpu.memory_space<hbm>> -> memref<79x128xi32, #tpu.memory_space<hbm>>
      tpu.wait_dma2 semaphore(%run_scoped3A : memref<!tpu.dma_semaphore, #tpu.memory_space<semaphore_mem>>) src(%dma_wait3A_39 : memref<79x128xi32, #tpu.memory_space<hbm>>) dst(%arg8 : memref<79x128xi32, #tpu.memory_space<vmem>>)
      tpu.yield
    }) : () -> ()
    %scan3A_15 = arith.constant 0 : i32
    %scan3A_16 = arith.constant 79 : i32
    %scan3A_17 = arith.addi %scan3A_15, %scan3A_16 : i32
    %scan3A_18 = arith.constant 1 : i32
    scf.for %scan3A_26 = %scan3A_15 to %scan3A_17 step %scan3A_18  : i32 {
      %mul3A_27 = arith.constant 1 : i32
      %mul3A_28 = arith.muli %scan3A_26, %mul3A_27 : i32
      %add3A_29 = arith.constant 0 : i32
      %add3A_30 = arith.addi %add3A_29, %mul3A_28 : i32
      %scan3A_31 = arith.constant 0 : i32
      %scan3A_32 = arith.constant 8 : i32
      %scan3A_33 = arith.addi %scan3A_31, %scan3A_32 : i32
      %scan3A_34 = arith.constant 1 : i32
      scf.for %scan3A_36 = %scan3A_31 to %scan3A_33 step %scan3A_34  : i32 {
        %mul3A_37 = arith.constant 16 : i32
        %mul3A_38 = arith.muli %scan3A_36, %mul3A_37 : i32
        %add3A_39 = arith.constant 0 : i32
        %add3A_40 = arith.addi %add3A_39, %mul3A_38 : i32
        %get3A = arith.index_cast %add3A_30 : i32 to index
        %get3A_41 = arith.index_cast %add3A_40 : i32 to index
        %get3A_42 = tpu.vector_load %arg7[%get3A, %get3A_41] {strides = array<i32>} : memref<79x128xi32, #tpu.memory_space<vmem>>, vector<1x16xi32>,
        %get3A_43 = vector.shape_cast %get3A_42 : vector<1x16xi32> to vector<16xi32>
        %add3A_44 = vector.broadcast %mul3A_2 : i32 to vector<16xi32>
        %add3A_45 = arith.addi %get3A_43, %add3A_44 : vector<16xi32>
        %swap3A = arith.index_cast %add3A_30 : i32 to index
        %swap3A_46 = arith.index_cast %add3A_40 : i32 to index
        %swap3A_47 = tpu.vector_load %arg7[%swap3A, %swap3A_46] {strides = array<i32>} : memref<79x128xi32, #tpu.memory_space<vmem>>, vector<1x16xi32>,
        %swap3A_48 = vector.shape_cast %swap3A_47 : vector<1x16xi32> to vector<16xi32>
        %swap3A_49 = vector.shape_cast %add3A_45 : vector<16xi32> to vector<1x16xi32>
        tpu.vector_store %arg7[%swap3A, %swap3A_46], %swap3A_49 {strides = array<i32>} : memref<79x128xi32, #tpu.memory_space<vmem>>, vector<1x16xi32>,
      }
      %scan3A_35 = arith.constant 8 : i32
    }
    %scan3A_19 = arith.constant 79 : i32
    %scan3A_20 = arith.constant 0 : i32
    %scan3A_21 = arith.constant 79 : i32
    %scan3A_22 = arith.addi %scan3A_20, %scan3A_21 : i32
    %scan3A_23 = arith.constant 1 : i32
    scf.for %scan3A_26 = %scan3A_20 to %scan3A_22 step %scan3A_23  : i32 {
      %mul3A_27 = arith.constant 1 : i32
      %mul3A_28 = arith.muli %scan3A_26, %mul3A_27 : i32
      %add3A_29 = arith.constant 0 : i32
      %add3A_30 = arith.addi %add3A_29, %mul3A_28 : i32
      "tpu.region"() ({
        %run_scoped3A = tpu.sem_alloc : memref<!tpu.dma_semaphore, #tpu.memory_space<semaphore_mem>>
        %dma_start3A = arith.constant 0 : i32
        %dma_start3A_31 = tpu.memref_slice %arg7[%add3A_30, %dma_start3A] : memref<79x128xi32, #tpu.memory_space<vmem>> -> memref<1x128xi32, #tpu.memory_space<vmem>>
        %dma_start3A_32 = tpu.memref_squeeze %dma_start3A_31 : memref<1x128xi32, #tpu.memory_space<vmem>> -> memref<128xi32, #tpu.memory_space<vmem>>
        %dma_start3A_33 = arith.constant 0 : i32
        %dma_start3A_34 = arith.constant 0 : i32
        %dma_start3A_35 = tpu.memref_slice %arg4[%dma_start3A_33, %dma_start3A_34] : memref<20000x128xf32, #tpu.memory_space<hbm>> -> memref<20000x128xf32, #tpu.memory_space<hbm>>
        tpu.enqueue_indirect_dma source(%dma_start3A_35 : memref<20000x128xf32, #tpu.memory_space<hbm>>) target(%arg9 : memref<128x128xf32, #tpu.memory_space<vmem>>) offsets(%dma_start3A_32 : memref<128xi32, #tpu.memory_space<vmem>>) semaphore(%run_scoped3A : memref<!tpu.dma_semaphore, #tpu.memory_space<semaphore_mem>>)
        %dma_wait3A = arith.constant 0 : i32
        %dma_wait3A_36 = tpu.memref_slice %arg7[%add3A_30, %dma_wait3A] : memref<79x128xi32, #tpu.memory_space<vmem>> -> memref<1x128xi32, #tpu.memory_space<vmem>>
        %dma_wait3A_37 = tpu.memref_squeeze %dma_wait3A_36 : memref<1x128xi32, #tpu.memory_space<vmem>> -> memref<128xi32, #tpu.memory_space<vmem>>
        %dma_wait3A_38 = arith.constant 0 : i32
        %dma_wait3A_39 = arith.constant 0 : i32
        %dma_wait3A_40 = tpu.memref_slice %arg4[%dma_wait3A_38, %dma_wait3A_39] : memref<20000x128xf32, #tpu.memory_space<hbm>> -> memref<20000x128xf32, #tpu.memory_space<hbm>>
        tpu.wait_indirect_dma semaphore(%run_scoped3A : memref<!tpu.dma_semaphore, #tpu.memory_space<semaphore_mem>>) src(%dma_wait3A_40 : memref<20000x128xf32, #tpu.memory_space<hbm>>) dst(%arg9 : memref<128x128xf32, #tpu.memory_space<vmem>>)
        tpu.yield
      }) : () -> ()
      "tpu.region"() ({
        %run_scoped3A = tpu.sem_alloc : memref<!tpu.dma_semaphore, #tpu.memory_space<semaphore_mem>>
        %dma_start3A = arith.constant 0 : i32
        %dma_start3A_31 = tpu.memref_slice %arg8[%add3A_30, %dma_start3A] : memref<79x128xi32, #tpu.memory_space<vmem>> -> memref<1x128xi32, #tpu.memory_space<vmem>>
        %dma_start3A_32 = tpu.memref_squeeze %dma_start3A_31 : memref<1x128xi32, #tpu.memory_space<vmem>> -> memref<128xi32, #tpu.memory_space<vmem>>
        %dma_start3A_33 = arith.constant 0 : i32
        %dma_start3A_34 = arith.constant 0 : i32
        %dma_start3A_35 = tpu.memref_slice %arg10[%dma_start3A_33, %dma_start3A_34] : memref<10240x128xf32, #tpu.memory_space<vmem_shared>> -> memref<10240x128xf32, #tpu.memory_space<vmem_shared>>
        tpu.enqueue_indirect_dma source(%arg9 : memref<128x128xf32, #tpu.memory_space<vmem>>) target(%dma_start3A_35 : memref<10240x128xf32, #tpu.memory_space<vmem_shared>>) offsets(%dma_start3A_32 : memref<128xi32, #tpu.memory_space<vmem>>) semaphore(%run_scoped3A : memref<!tpu.dma_semaphore, #tpu.memory_space<semaphore_mem>>) {add = true}
        %dma_wait3A = arith.constant 0 : i32
        %dma_wait3A_36 = tpu.memref_slice %arg8[%add3A_30, %dma_wait3A] : memref<79x128xi32, #tpu.memory_space<vmem>> -> memref<1x128xi32, #tpu.memory_space<vmem>>
        %dma_wait3A_37 = tpu.memref_squeeze %dma_wait3A_36 : memref<1x128xi32, #tpu.memory_space<vmem>> -> memref<128xi32, #tpu.memory_space<vmem>>
        %dma_wait3A_38 = arith.constant 0 : i32
        %dma_wait3A_39 = arith.constant 0 : i32
        %dma_wait3A_40 = tpu.memref_slice %arg10[%dma_wait3A_38, %dma_wait3A_39] : memref<10240x128xf32, #tpu.memory_space<vmem_shared>> -> memref<10240x128xf32, #tpu.memory_space<vmem_shared>>
        tpu.wait_indirect_dma semaphore(%run_scoped3A : memref<!tpu.dma_semaphore, #tpu.memory_space<semaphore_mem>>) src(%arg9 : memref<128x128xf32, #tpu.memory_space<vmem>>) dst(%dma_wait3A_40 : memref<10240x128xf32, #tpu.memory_space<vmem_shared>>)
        tpu.yield
      }) : () -> ()
    }
    %scan3A_24 = arith.constant 79 : i32
    %barrier3A_25 = arith.constant 0 : index
    tpu.barrier barrier_id(%barrier3A_25)
    "tpu.region"() ({
      %run_scoped3A = tpu.sem_alloc : memref<!tpu.dma_semaphore, #tpu.memory_space<semaphore_mem>>
      %dma_start3A = arith.constant 0 : i32
      %dma_start3A_26 = tpu.memref_slice %arg6[%arg0, %mul3A_0, %dma_start3A] : memref<2x10240x128xf32, #tpu.memory_space<hbm>> -> memref<1x640x128xf32, #tpu.memory_space<hbm>>
      %dma_start3A_27 = tpu.memref_squeeze %dma_start3A_26 : memref<1x640x128xf32, #tpu.memory_space<hbm>> -> memref<640x128xf32, #tpu.memory_space<hbm>>
      %dma_start3A_28 = arith.constant 0 : i32
      %dma_start3A_29 = tpu.memref_slice %arg10[%mul3A_0, %dma_start3A_28] : memref<10240x128xf32, #tpu.memory_space<vmem_shared>> -> memref<640x128xf32, #tpu.memory_space<vmem_shared>>
      tpu.enqueue_dma source(%dma_start3A_29 : memref<640x128xf32, #tpu.memory_space<vmem_shared>>) target(%dma_start3A_27 : memref<640x128xf32, #tpu.memory_space<hbm>>) target_semaphore(%run_scoped3A : memref<!tpu.dma_semaphore, #tpu.memory_space<semaphore_mem>>)
      %dma_wait3A = arith.constant 0 : i32
      %dma_wait3A_30 = tpu.memref_slice %arg6[%arg0, %mul3A_0, %dma_wait3A] : memref<2x10240x128xf32, #tpu.memory_space<hbm>> -> memref<1x640x128xf32, #tpu.memory_space<hbm>>
      %dma_wait3A_31 = tpu.memref_squeeze %dma_wait3A_30 : memref<1x640x128xf32, #tpu.memory_space<hbm>> -> memref<640x128xf32, #tpu.memory_space<hbm>>
      %dma_wait3A_32 = arith.constant 0 : i32
      %dma_wait3A_33 = tpu.memref_slice %arg10[%mul3A_0, %dma_wait3A_32] : memref<10240x128xf32, #tpu.memory_space<vmem_shared>> -> memref<640x128xf32, #tpu.memory_space<vmem_shared>>
      tpu.wait_dma2 semaphore(%run_scoped3A : memref<!tpu.dma_semaphore, #tpu.memory_space<semaphore_mem>>) src(%dma_wait3A_33 : memref<640x128xf32, #tpu.memory_space<vmem_shared>>) dst(%dma_wait3A_31 : memref<640x128xf32, #tpu.memory_space<hbm>>)
      tpu.yield
    }) : () -> ()
    return
  }
}

#map = affine_map<(d0, d1) -> (0, 0, 0)>
#map1 = affine_map<(d0, d1) -> (0, 0)>
module attributes {stable_mosaic.version = 14 : i64} {
  func.func @agg_kernel(%arg0: i32, %arg1: i32, %arg2: memref<32x79x128xi32, #tpu.memory_space<hbm>>, %arg3: memref<32x79x128xi32, #tpu.memory_space<hbm>>, %arg4: memref<10000x128xf32, #tpu.memory_space<hbm>>, %arg5: memref<10240x128xf32, #tpu.memory_space<hbm>>, %arg6: memref<2x10240x128xf32, #tpu.memory_space<hbm>>, %arg7: memref<79x128xi32, #tpu.memory_space<vmem>>, %arg8: memref<79x128xi32, #tpu.memory_space<vmem>>, %arg9: memref<128x128xf32, #tpu.memory_space<vmem>>, %arg10: memref<10240x128xf32, #tpu.memory_space<vmem_shared>>) attributes {dimension_semantics = [#tpu.dimension_semantics<core_parallel>, #tpu.dimension_semantics<subcore_parallel>], iteration_bounds = array<i64: 2, 16>, scalar_prefetch = 0 : i64, scratch_operands = 4 : i64, tpu.core_type = #tpu.core_type<sc_vector_subcore>, window_params = [{transform_indices = #map}, {transform_indices = #map}, {transform_indices = #map1}, {transform_indices = #map1}, {transform_indices = #map}]} {
    %mul3A = arith.constant 16 : i32
    %mul3A_0 = arith.muli %arg0, %mul3A : i32
    %add3A = arith.addi %mul3A_0, %arg1 : i32
    %mul3A_1 = arith.constant 640 : i32
    %mul3A_2 = arith.muli %arg1, %mul3A_1 : i32
    "tpu.region"() ({
      %run_scoped3A = tpu.sem_alloc : memref<!tpu.dma_semaphore, #tpu.memory_space<semaphore_mem>>
      %dma_start3A = arith.constant 0 : i32
      %dma_start3A_8 = tpu.memref_slice %arg10[%mul3A_2, %dma_start3A] : memref<10240x128xf32, #tpu.memory_space<vmem_shared>> -> memref<640x128xf32, #tpu.memory_space<vmem_shared>>
      %dma_start3A_9 = arith.constant 0 : i32
      %dma_start3A_10 = tpu.memref_slice %arg5[%mul3A_2, %dma_start3A_9] : memref<10240x128xf32, #tpu.memory_space<hbm>> -> memref<640x128xf32, #tpu.memory_space<hbm>>
      tpu.enqueue_dma source(%dma_start3A_10 : memref<640x128xf32, #tpu.memory_space<hbm>>) target(%dma_start3A_8 : memref<640x128xf32, #tpu.memory_space<vmem_shared>>) target_semaphore(%run_scoped3A : memref<!tpu.dma_semaphore, #tpu.memory_space<semaphore_mem>>)
      %dma_wait3A = arith.constant 0 : i32
      %dma_wait3A_11 = tpu.memref_slice %arg10[%mul3A_2, %dma_wait3A] : memref<10240x128xf32, #tpu.memory_space<vmem_shared>> -> memref<640x128xf32, #tpu.memory_space<vmem_shared>>
      %dma_wait3A_12 = arith.constant 0 : i32
      %dma_wait3A_13 = tpu.memref_slice %arg5[%mul3A_2, %dma_wait3A_12] : memref<10240x128xf32, #tpu.memory_space<hbm>> -> memref<640x128xf32, #tpu.memory_space<hbm>>
      tpu.wait_dma2 semaphore(%run_scoped3A : memref<!tpu.dma_semaphore, #tpu.memory_space<semaphore_mem>>) src(%dma_wait3A_13 : memref<640x128xf32, #tpu.memory_space<hbm>>) dst(%dma_wait3A_11 : memref<640x128xf32, #tpu.memory_space<vmem_shared>>)
      tpu.yield
    }) : () -> ()
    "tpu.region"() ({
      %run_scoped3A = tpu.sem_alloc : memref<!tpu.dma_semaphore, #tpu.memory_space<semaphore_mem>>
      %dma_start3A = arith.constant 0 : i32
      %dma_start3A_8 = arith.constant 0 : i32
      %dma_start3A_9 = tpu.memref_slice %arg2[%add3A, %dma_start3A, %dma_start3A_8] : memref<32x79x128xi32, #tpu.memory_space<hbm>> -> memref<1x79x128xi32, #tpu.memory_space<hbm>>
      %dma_start3A_10 = tpu.memref_squeeze %dma_start3A_9 : memref<1x79x128xi32, #tpu.memory_space<hbm>> -> memref<79x128xi32, #tpu.memory_space<hbm>>
      %dma_start3A_11 = arith.constant 0 : i32
      %dma_start3A_12 = arith.constant 0 : i32
      %dma_start3A_13 = tpu.memref_slice %arg2[%add3A, %dma_start3A_11, %dma_start3A_12] : memref<32x79x128xi32, #tpu.memory_space<hbm>> -> memref<1x79x128xi32, #tpu.memory_space<hbm>>
      %dma_start3A_14 = tpu.memref_squeeze %dma_start3A_13 : memref<1x79x128xi32, #tpu.memory_space<hbm>> -> memref<79x128xi32, #tpu.memory_space<hbm>>
      tpu.enqueue_dma source(%dma_start3A_14 : memref<79x128xi32, #tpu.memory_space<hbm>>) target(%arg7 : memref<79x128xi32, #tpu.memory_space<vmem>>) target_semaphore(%run_scoped3A : memref<!tpu.dma_semaphore, #tpu.memory_space<semaphore_mem>>)
      %dma_wait3A = arith.constant 0 : i32
      %dma_wait3A_15 = arith.constant 0 : i32
      %dma_wait3A_16 = tpu.memref_slice %arg2[%add3A, %dma_wait3A, %dma_wait3A_15] : memref<32x79x128xi32, #tpu.memory_space<hbm>> -> memref<1x79x128xi32, #tpu.memory_space<hbm>>
      %dma_wait3A_17 = tpu.memref_squeeze %dma_wait3A_16 : memref<1x79x128xi32, #tpu.memory_space<hbm>> -> memref<79x128xi32, #tpu.memory_space<hbm>>
      %dma_wait3A_18 = arith.constant 0 : i32
      %dma_wait3A_19 = arith.constant 0 : i32
      %dma_wait3A_20 = tpu.memref_slice %arg2[%add3A, %dma_wait3A_18, %dma_wait3A_19] : memref<32x79x128xi32, #tpu.memory_space<hbm>> -> memref<1x79x128xi32, #tpu.memory_space<hbm>>
      %dma_wait3A_21 = tpu.memref_squeeze %dma_wait3A_20 : memref<1x79x128xi32, #tpu.memory_space<hbm>> -> memref<79x128xi32, #tpu.memory_space<hbm>>
      tpu.wait_dma2 semaphore(%run_scoped3A : memref<!tpu.dma_semaphore, #tpu.memory_space<semaphore_mem>>) src(%dma_wait3A_21 : memref<79x128xi32, #tpu.memory_space<hbm>>) dst(%arg7 : memref<79x128xi32, #tpu.memory_space<vmem>>)
      tpu.yield
    }) : () -> ()
    "tpu.region"() ({
      %run_scoped3A = tpu.sem_alloc : memref<!tpu.dma_semaphore, #tpu.memory_space<semaphore_mem>>
      %dma_start3A = arith.constant 0 : i32
      %dma_start3A_8 = arith.constant 0 : i32
      %dma_start3A_9 = tpu.memref_slice %arg3[%add3A, %dma_start3A, %dma_start3A_8] : memref<32x79x128xi32, #tpu.memory_space<hbm>> -> memref<1x79x128xi32, #tpu.memory_space<hbm>>
      %dma_start3A_10 = tpu.memref_squeeze %dma_start3A_9 : memref<1x79x128xi32, #tpu.memory_space<hbm>> -> memref<79x128xi32, #tpu.memory_space<hbm>>
      %dma_start3A_11 = arith.constant 0 : i32
      %dma_start3A_12 = arith.constant 0 : i32
      %dma_start3A_13 = tpu.memref_slice %arg3[%add3A, %dma_start3A_11, %dma_start3A_12] : memref<32x79x128xi32, #tpu.memory_space<hbm>> -> memref<1x79x128xi32, #tpu.memory_space<hbm>>
      %dma_start3A_14 = tpu.memref_squeeze %dma_start3A_13 : memref<1x79x128xi32, #tpu.memory_space<hbm>> -> memref<79x128xi32, #tpu.memory_space<hbm>>
      tpu.enqueue_dma source(%dma_start3A_14 : memref<79x128xi32, #tpu.memory_space<hbm>>) target(%arg8 : memref<79x128xi32, #tpu.memory_space<vmem>>) target_semaphore(%run_scoped3A : memref<!tpu.dma_semaphore, #tpu.memory_space<semaphore_mem>>)
      %dma_wait3A = arith.constant 0 : i32
      %dma_wait3A_15 = arith.constant 0 : i32
      %dma_wait3A_16 = tpu.memref_slice %arg3[%add3A, %dma_wait3A, %dma_wait3A_15] : memref<32x79x128xi32, #tpu.memory_space<hbm>> -> memref<1x79x128xi32, #tpu.memory_space<hbm>>
      %dma_wait3A_17 = tpu.memref_squeeze %dma_wait3A_16 : memref<1x79x128xi32, #tpu.memory_space<hbm>> -> memref<79x128xi32, #tpu.memory_space<hbm>>
      %dma_wait3A_18 = arith.constant 0 : i32
      %dma_wait3A_19 = arith.constant 0 : i32
      %dma_wait3A_20 = tpu.memref_slice %arg3[%add3A, %dma_wait3A_18, %dma_wait3A_19] : memref<32x79x128xi32, #tpu.memory_space<hbm>> -> memref<1x79x128xi32, #tpu.memory_space<hbm>>
      %dma_wait3A_21 = tpu.memref_squeeze %dma_wait3A_20 : memref<1x79x128xi32, #tpu.memory_space<hbm>> -> memref<79x128xi32, #tpu.memory_space<hbm>>
      tpu.wait_dma2 semaphore(%run_scoped3A : memref<!tpu.dma_semaphore, #tpu.memory_space<semaphore_mem>>) src(%dma_wait3A_21 : memref<79x128xi32, #tpu.memory_space<hbm>>) dst(%arg8 : memref<79x128xi32, #tpu.memory_space<vmem>>)
      tpu.yield
    }) : () -> ()
    %barrier3A = arith.constant 0 : index
    tpu.barrier barrier_id(%barrier3A)
    %scan3A = arith.constant 0 : i32
    %scan3A_3 = arith.constant 79 : i32
    %scan3A_4 = arith.addi %scan3A, %scan3A_3 : i32
    %scan3A_5 = arith.constant 1 : i32
    scf.for %scan3A_8 = %scan3A to %scan3A_4 step %scan3A_5  : i32 {
      %mul3A_9 = arith.constant 1 : i32
      %mul3A_10 = arith.muli %scan3A_8, %mul3A_9 : i32
      %add3A_11 = arith.constant 0 : i32
      %add3A_12 = arith.addi %add3A_11, %mul3A_10 : i32
      "tpu.region"() ({
        %run_scoped3A = tpu.sem_alloc : memref<!tpu.dma_semaphore, #tpu.memory_space<semaphore_mem>>
        %dma_start3A = arith.constant 0 : i32
        %dma_start3A_13 = tpu.memref_slice %arg7[%add3A_12, %dma_start3A] : memref<79x128xi32, #tpu.memory_space<vmem>> -> memref<1x128xi32, #tpu.memory_space<vmem>>
        %dma_start3A_14 = tpu.memref_squeeze %dma_start3A_13 : memref<1x128xi32, #tpu.memory_space<vmem>> -> memref<128xi32, #tpu.memory_space<vmem>>
        %dma_start3A_15 = arith.constant 0 : i32
        %dma_start3A_16 = arith.constant 0 : i32
        %dma_start3A_17 = tpu.memref_slice %arg4[%dma_start3A_15, %dma_start3A_16] : memref<10000x128xf32, #tpu.memory_space<hbm>> -> memref<10000x128xf32, #tpu.memory_space<hbm>>
        tpu.enqueue_indirect_dma source(%dma_start3A_17 : memref<10000x128xf32, #tpu.memory_space<hbm>>) target(%arg9 : memref<128x128xf32, #tpu.memory_space<vmem>>) offsets(%dma_start3A_14 : memref<128xi32, #tpu.memory_space<vmem>>) semaphore(%run_scoped3A : memref<!tpu.dma_semaphore, #tpu.memory_space<semaphore_mem>>)
        %dma_wait3A = arith.constant 0 : i32
        %dma_wait3A_18 = tpu.memref_slice %arg7[%add3A_12, %dma_wait3A] : memref<79x128xi32, #tpu.memory_space<vmem>> -> memref<1x128xi32, #tpu.memory_space<vmem>>
        %dma_wait3A_19 = tpu.memref_squeeze %dma_wait3A_18 : memref<1x128xi32, #tpu.memory_space<vmem>> -> memref<128xi32, #tpu.memory_space<vmem>>
        %dma_wait3A_20 = arith.constant 0 : i32
        %dma_wait3A_21 = arith.constant 0 : i32
        %dma_wait3A_22 = tpu.memref_slice %arg4[%dma_wait3A_20, %dma_wait3A_21] : memref<10000x128xf32, #tpu.memory_space<hbm>> -> memref<10000x128xf32, #tpu.memory_space<hbm>>
        tpu.wait_indirect_dma semaphore(%run_scoped3A : memref<!tpu.dma_semaphore, #tpu.memory_space<semaphore_mem>>) src(%dma_wait3A_22 : memref<10000x128xf32, #tpu.memory_space<hbm>>) dst(%arg9 : memref<128x128xf32, #tpu.memory_space<vmem>>)
        tpu.yield
      }) : () -> ()
      "tpu.region"() ({
        %run_scoped3A = tpu.sem_alloc : memref<!tpu.dma_semaphore, #tpu.memory_space<semaphore_mem>>
        %dma_start3A = arith.constant 0 : i32
        %dma_start3A_13 = tpu.memref_slice %arg8[%add3A_12, %dma_start3A] : memref<79x128xi32, #tpu.memory_space<vmem>> -> memref<1x128xi32, #tpu.memory_space<vmem>>
        %dma_start3A_14 = tpu.memref_squeeze %dma_start3A_13 : memref<1x128xi32, #tpu.memory_space<vmem>> -> memref<128xi32, #tpu.memory_space<vmem>>
        %dma_start3A_15 = arith.constant 0 : i32
        %dma_start3A_16 = arith.constant 0 : i32
        %dma_start3A_17 = tpu.memref_slice %arg10[%dma_start3A_15, %dma_start3A_16] : memref<10240x128xf32, #tpu.memory_space<vmem_shared>> -> memref<10240x128xf32, #tpu.memory_space<vmem_shared>>
        tpu.enqueue_indirect_dma source(%arg9 : memref<128x128xf32, #tpu.memory_space<vmem>>) target(%dma_start3A_17 : memref<10240x128xf32, #tpu.memory_space<vmem_shared>>) offsets(%dma_start3A_14 : memref<128xi32, #tpu.memory_space<vmem>>) semaphore(%run_scoped3A : memref<!tpu.dma_semaphore, #tpu.memory_space<semaphore_mem>>) {add = true}
        %dma_wait3A = arith.constant 0 : i32
        %dma_wait3A_18 = tpu.memref_slice %arg8[%add3A_12, %dma_wait3A] : memref<79x128xi32, #tpu.memory_space<vmem>> -> memref<1x128xi32, #tpu.memory_space<vmem>>
        %dma_wait3A_19 = tpu.memref_squeeze %dma_wait3A_18 : memref<1x128xi32, #tpu.memory_space<vmem>> -> memref<128xi32, #tpu.memory_space<vmem>>
        %dma_wait3A_20 = arith.constant 0 : i32
        %dma_wait3A_21 = arith.constant 0 : i32
        %dma_wait3A_22 = tpu.memref_slice %arg10[%dma_wait3A_20, %dma_wait3A_21] : memref<10240x128xf32, #tpu.memory_space<vmem_shared>> -> memref<10240x128xf32, #tpu.memory_space<vmem_shared>>
        tpu.wait_indirect_dma semaphore(%run_scoped3A : memref<!tpu.dma_semaphore, #tpu.memory_space<semaphore_mem>>) src(%arg9 : memref<128x128xf32, #tpu.memory_space<vmem>>) dst(%dma_wait3A_22 : memref<10240x128xf32, #tpu.memory_space<vmem_shared>>)
        tpu.yield
      }) : () -> ()
    }
    %scan3A_6 = arith.constant 79 : i32
    %barrier3A_7 = arith.constant 0 : index
    tpu.barrier barrier_id(%barrier3A_7)
    "tpu.region"() ({
      %run_scoped3A = tpu.sem_alloc : memref<!tpu.dma_semaphore, #tpu.memory_space<semaphore_mem>>
      %dma_start3A = arith.constant 0 : i32
      %dma_start3A_8 = tpu.memref_slice %arg6[%arg0, %mul3A_2, %dma_start3A] : memref<2x10240x128xf32, #tpu.memory_space<hbm>> -> memref<1x640x128xf32, #tpu.memory_space<hbm>>
      %dma_start3A_9 = tpu.memref_squeeze %dma_start3A_8 : memref<1x640x128xf32, #tpu.memory_space<hbm>> -> memref<640x128xf32, #tpu.memory_space<hbm>>
      %dma_start3A_10 = arith.constant 0 : i32
      %dma_start3A_11 = tpu.memref_slice %arg10[%mul3A_2, %dma_start3A_10] : memref<10240x128xf32, #tpu.memory_space<vmem_shared>> -> memref<640x128xf32, #tpu.memory_space<vmem_shared>>
      tpu.enqueue_dma source(%dma_start3A_11 : memref<640x128xf32, #tpu.memory_space<vmem_shared>>) target(%dma_start3A_9 : memref<640x128xf32, #tpu.memory_space<hbm>>) target_semaphore(%run_scoped3A : memref<!tpu.dma_semaphore, #tpu.memory_space<semaphore_mem>>)
      %dma_wait3A = arith.constant 0 : i32
      %dma_wait3A_12 = tpu.memref_slice %arg6[%arg0, %mul3A_2, %dma_wait3A] : memref<2x10240x128xf32, #tpu.memory_space<hbm>> -> memref<1x640x128xf32, #tpu.memory_space<hbm>>
      %dma_wait3A_13 = tpu.memref_squeeze %dma_wait3A_12 : memref<1x640x128xf32, #tpu.memory_space<hbm>> -> memref<640x128xf32, #tpu.memory_space<hbm>>
      %dma_wait3A_14 = arith.constant 0 : i32
      %dma_wait3A_15 = tpu.memref_slice %arg10[%mul3A_2, %dma_wait3A_14] : memref<10240x128xf32, #tpu.memory_space<vmem_shared>> -> memref<640x128xf32, #tpu.memory_space<vmem_shared>>
      tpu.wait_dma2 semaphore(%run_scoped3A : memref<!tpu.dma_semaphore, #tpu.memory_space<semaphore_mem>>) src(%dma_wait3A_15 : memref<640x128xf32, #tpu.memory_space<vmem_shared>>) dst(%dma_wait3A_13 : memref<640x128xf32, #tpu.memory_space<hbm>>)
      tpu.yield
    }) : () -> ()
    return
  }
}

module attributes {stable_mosaic.version = 14 : i64} {
  func.func @body(%arg0: i32, %arg1: memref<400x128xf32, #tpu.memory_space<vmem>>, %arg2: memref<400x1xf32, #tpu.memory_space<vmem>>, %arg3: memref<400x128xf32, #tpu.memory_space<vmem>>) attributes {dimension_semantics = [#tpu.dimension_semantics<arbitrary>], iteration_bounds = array<i64: 25>, scalar_prefetch = 0 : i64, scratch_operands = 0 : i64, tpu.core_type = #tpu.core_type<tc>, window_params = [{transform_indices = @transform_0, window_bounds = array<i64: 400, 128>}, {transform_indices = @transform_1, window_bounds = array<i64: 400, 1>}, {transform_indices = @transform_2, window_bounds = array<i64: 400, 128>}]} {
    %get3A = arith.constant 0 : index
    %get3A_0 = arith.constant 0 : index
    %get3A_1 = vector.load %arg1[%get3A, %get3A_0] : memref<400x128xf32, #tpu.memory_space<vmem>>, vector<400x128xf32>
    %get3A_2 = arith.constant 0 : index
    %get3A_3 = arith.constant 0 : index
    %get3A_4 = vector.load %arg2[%get3A_2, %get3A_3] : memref<400x1xf32, #tpu.memory_space<vmem>>, vector<400x1xf32>
    %mul3A = vector.broadcast %get3A_4 : vector<400x1xf32> to vector<400x128xf32>
    %mul3A_5 = arith.mulf %get3A_1, %mul3A : vector<400x128xf32>
    %swap3A = arith.constant 0 : index
    %swap3A_6 = arith.constant 0 : index
    %swap3A_7 = vector.load %arg3[%swap3A, %swap3A_6] : memref<400x128xf32, #tpu.memory_space<vmem>>, vector<400x128xf32>
    tpu.vector_store %arg3[%swap3A, %swap3A_6], %mul3A_5 {strides = array<i32>} : memref<400x128xf32, #tpu.memory_space<vmem>>, vector<400x128xf32>,
    return
  }
  func.func @transform_0(%arg0: i32) -> (i32, i32) {
    %c0_i32 = arith.constant 0 : i32
    %c0_i32_0 = arith.constant 0 : i32
    return %arg0, %c0_i32 : i32, i32
  }
  func.func @transform_1(%arg0: i32) -> (i32, i32) {
    %c0_i32 = arith.constant 0 : i32
    %c0_i32_0 = arith.constant 0 : i32
    return %arg0, %c0_i32 : i32, i32
  }
  func.func @transform_2(%arg0: i32) -> (i32, i32) {
    %c0_i32 = arith.constant 0 : i32
    %c0_i32_0 = arith.constant 0 : i32
    return %arg0, %c0_i32 : i32, i32
  }
}

module attributes {stable_mosaic.version = 14 : i64} {
  func.func @body(%arg0: i32, %arg1: memref<400x128xf32, #tpu.memory_space<vmem>>, %arg2: memref<400x128xf32, #tpu.memory_space<vmem>>, %arg3: memref<400x128xf32, #tpu.memory_space<vmem>>, %arg4: memref<400x1xf32, #tpu.memory_space<vmem>>, %arg5: memref<128x256xf32, #tpu.memory_space<vmem>>, %arg6: memref<1x256xf32, #tpu.memory_space<vmem>>, %arg7: memref<400x128xf32, #tpu.memory_space<vmem>>, %arg8: memref<400x128xf32, #tpu.memory_space<vmem>>) attributes {dimension_semantics = [#tpu.dimension_semantics<arbitrary>], iteration_bounds = array<i64: 25>, scalar_prefetch = 0 : i64, scratch_operands = 0 : i64, tpu.core_type = #tpu.core_type<tc>, window_params = [{transform_indices = @transform_0, window_bounds = array<i64: 400, 128>}, {transform_indices = @transform_1, window_bounds = array<i64: 400, 128>}, {transform_indices = @transform_2, window_bounds = array<i64: 400, 128>}, {transform_indices = @transform_3, window_bounds = array<i64: 400, 1>}, {pipeline_mode = #tpu.pipeline_mode<synchronous>, transform_indices = @transform_4, window_bounds = array<i64: 128, 256>}, {pipeline_mode = #tpu.pipeline_mode<synchronous>, transform_indices = @transform_5, window_bounds = array<i64: 1, 256>}, {transform_indices = @transform_6, window_bounds = array<i64: 400, 128>}, {transform_indices = @transform_7, window_bounds = array<i64: 400, 128>}]} {
    %get3A = arith.constant 0 : index
    %get3A_0 = arith.constant 0 : index
    %get3A_1 = vector.load %arg1[%get3A, %get3A_0] : memref<400x128xf32, #tpu.memory_space<vmem>>, vector<400x128xf32>
    %get3A_2 = arith.constant 0 : index
    %get3A_3 = arith.constant 0 : index
    %get3A_4 = vector.load %arg2[%get3A_2, %get3A_3] : memref<400x128xf32, #tpu.memory_space<vmem>>, vector<400x128xf32>
    %add3A = arith.addf %get3A_1, %get3A_4 : vector<400x128xf32>
    %get3A_5 = arith.constant 0 : index
    %get3A_6 = arith.constant 0 : index
    %get3A_7 = vector.load %arg3[%get3A_5, %get3A_6] : memref<400x128xf32, #tpu.memory_space<vmem>>, vector<400x128xf32>
    %add3A_8 = arith.addf %add3A, %get3A_7 : vector<400x128xf32>
    %get3A_9 = arith.constant 0 : index
    %get3A_10 = arith.constant 0 : index
    %get3A_11 = vector.load %arg4[%get3A_9, %get3A_10] : memref<400x1xf32, #tpu.memory_space<vmem>>, vector<400x1xf32>
    %mul3A = vector.broadcast %get3A_11 : vector<400x1xf32> to vector<400x128xf32>
    %mul3A_12 = arith.mulf %add3A_8, %mul3A : vector<400x128xf32>
    %get3A_13 = arith.constant 0 : index
    %get3A_14 = arith.constant 0 : index
    %get3A_15 = vector.load %arg5[%get3A_13, %get3A_14] : memref<128x256xf32, #tpu.memory_space<vmem>>, vector<128x256xf32>
    %dot_general3A = arith.constant dense<0.000000e+00> : vector<400x256xf32>
    %dot_general3A_16 = tpu.matmul %mul3A_12, %get3A_15, %dot_general3A {dimension_numbers = #tpu.dot_dimension_numbers<[1], [0], [0], [1], [0, 0, 1, 1], [], []>, transpose_lhs_hint = false} : vector<400x128xf32>, vector<128x256xf32>, vector<400x256xf32> -> vector<400x256xf32>
    %get3A_17 = arith.constant 0 : index
    %get3A_18 = arith.constant 0 : index
    %get3A_19 = vector.load %arg6[%get3A_17, %get3A_18] : memref<1x256xf32, #tpu.memory_space<vmem>>, vector<1x256xf32>
    %add3A_20 = vector.broadcast %get3A_19 : vector<1x256xf32> to vector<400x256xf32>
    %add3A_21 = arith.addf %dot_general3A_16, %add3A_20 : vector<400x256xf32>
    %max3A = arith.constant 0.000000e+00 : f32
    %max3A_22 = vector.broadcast %max3A : f32 to vector<400x256xf32>
    %max3A_23 = arith.maximumf %add3A_21, %max3A_22 : vector<400x256xf32>
    %get3A_24 = arith.constant 0 : index
    %get3A_25 = arith.constant 0 : index
    %get3A_26 = vector.load %arg4[%get3A_24, %get3A_25] : memref<400x1xf32, #tpu.memory_space<vmem>>, vector<400x1xf32>
    %mul3A_27 = vector.broadcast %get3A_26 : vector<400x1xf32> to vector<400x256xf32>
    %mul3A_28 = arith.mulf %max3A_23, %mul3A_27 : vector<400x256xf32>
    %slice3A = vector.extract_strided_slice %mul3A_28 {offsets = [0, 0], sizes = [400, 128], strides = [1, 1]} : vector<400x256xf32> to vector<400x128xf32>
    %swap3A = arith.constant 0 : index
    %swap3A_29 = arith.constant 0 : index
    %swap3A_30 = vector.load %arg7[%swap3A, %swap3A_29] : memref<400x128xf32, #tpu.memory_space<vmem>>, vector<400x128xf32>
    tpu.vector_store %arg7[%swap3A, %swap3A_29], %slice3A {strides = array<i32>} : memref<400x128xf32, #tpu.memory_space<vmem>>, vector<400x128xf32>,
    %slice3A_31 = vector.extract_strided_slice %mul3A_28 {offsets = [0, 128], sizes = [400, 128], strides = [1, 1]} : vector<400x256xf32> to vector<400x128xf32>
    %swap3A_32 = arith.constant 0 : index
    %swap3A_33 = arith.constant 0 : index
    %swap3A_34 = vector.load %arg8[%swap3A_32, %swap3A_33] : memref<400x128xf32, #tpu.memory_space<vmem>>, vector<400x128xf32>
    tpu.vector_store %arg8[%swap3A_32, %swap3A_33], %slice3A_31 {strides = array<i32>} : memref<400x128xf32, #tpu.memory_space<vmem>>, vector<400x128xf32>,
    return
  }
  func.func @transform_0(%arg0: i32) -> (i32, i32) {
    %c0_i32 = arith.constant 0 : i32
    %c0_i32_0 = arith.constant 0 : i32
    return %arg0, %c0_i32 : i32, i32
  }
  func.func @transform_1(%arg0: i32) -> (i32, i32) {
    %c0_i32 = arith.constant 0 : i32
    %c0_i32_0 = arith.constant 0 : i32
    return %arg0, %c0_i32 : i32, i32
  }
  func.func @transform_2(%arg0: i32) -> (i32, i32) {
    %c0_i32 = arith.constant 0 : i32
    %c0_i32_0 = arith.constant 0 : i32
    return %arg0, %c0_i32 : i32, i32
  }
  func.func @transform_3(%arg0: i32) -> (i32, i32) {
    %c0_i32 = arith.constant 0 : i32
    %c0_i32_0 = arith.constant 0 : i32
    return %arg0, %c0_i32 : i32, i32
  }
  func.func @transform_4(%arg0: i32) -> (i32, i32) {
    %c0_i32 = arith.constant 0 : i32
    %c0_i32_0 = arith.constant 0 : i32
    %c0_i32_1 = arith.constant 0 : i32
    return %c0_i32, %c0_i32_0 : i32, i32
  }
  func.func @transform_5(%arg0: i32) -> (i32, i32) {
    %c0_i32 = arith.constant 0 : i32
    %c0_i32_0 = arith.constant 0 : i32
    %c0_i32_1 = arith.constant 0 : i32
    return %c0_i32, %c0_i32_0 : i32, i32
  }
  func.func @transform_6(%arg0: i32) -> (i32, i32) {
    %c0_i32 = arith.constant 0 : i32
    %c0_i32_0 = arith.constant 0 : i32
    return %arg0, %c0_i32 : i32, i32
  }
  func.func @transform_7(%arg0: i32) -> (i32, i32) {
    %c0_i32 = arith.constant 0 : i32
    %c0_i32_0 = arith.constant 0 : i32
    return %arg0, %c0_i32 : i32, i32
  }
}

module attributes {stable_mosaic.version = 14 : i64} {
  func.func @body(%arg0: i32, %arg1: memref<400x128xf32, #tpu.memory_space<vmem>>, %arg2: memref<400x128xf32, #tpu.memory_space<vmem>>, %arg3: memref<400x128xf32, #tpu.memory_space<vmem>>, %arg4: memref<400x128xf32, #tpu.memory_space<vmem>>, %arg5: memref<400x1xf32, #tpu.memory_space<vmem>>, %arg6: memref<1x1x400xi32, #tpu.memory_space<vmem>>, %arg7: memref<256x256xf32, #tpu.memory_space<vmem>>, %arg8: memref<1x256xf32, #tpu.memory_space<vmem>>, %arg9: memref<256x128xf32, #tpu.memory_space<vmem>>, %arg10: memref<1x128xf32, #tpu.memory_space<vmem>>, %arg11: memref<16x128xf32, #tpu.memory_space<vmem>>, %arg12: memref<16x256xf32, #tpu.memory_space<vmem>>, %arg13: memref<16x256xf32, #tpu.memory_space<vmem>>) attributes {dimension_semantics = [#tpu.dimension_semantics<arbitrary>], iteration_bounds = array<i64: 25>, scalar_prefetch = 0 : i64, scratch_operands = 2 : i64, tpu.core_type = #tpu.core_type<tc>, window_params = [{transform_indices = @transform_0, window_bounds = array<i64: 400, 128>}, {transform_indices = @transform_1, window_bounds = array<i64: 400, 128>}, {transform_indices = @transform_2, window_bounds = array<i64: 400, 128>}, {transform_indices = @transform_3, window_bounds = array<i64: 400, 128>}, {transform_indices = @transform_4, window_bounds = array<i64: 400, 1>}, {transform_indices = @transform_5, window_bounds = array<i64: 1, 1, 400>}, {pipeline_mode = #tpu.pipeline_mode<synchronous>, transform_indices = @transform_6, window_bounds = array<i64: 256, 256>}, {pipeline_mode = #tpu.pipeline_mode<synchronous>, transform_indices = @transform_7, window_bounds = array<i64: 1, 256>}, {pipeline_mode = #tpu.pipeline_mode<synchronous>, transform_indices = @transform_8, window_bounds = array<i64: 256, 128>}, {pipeline_mode = #tpu.pipeline_mode<synchronous>, transform_indices = @transform_9, window_bounds = array<i64: 1, 128>}, {pipeline_mode = #tpu.pipeline_mode<synchronous>, transform_indices = @transform_10, window_bounds = array<i64: 16, 128>}]} {
    %eq3A = arith.constant 0 : i32
    %eq3A_0 = arith.cmpi eq, %arg0, %eq3A : i32
    %convert_element_type3A = arith.extui %eq3A_0 : i1 to i32
    %cond3A = arith.constant 0 : i32
    %cond3A_1 = arith.cmpi ne, %convert_element_type3A, %cond3A : i32
    scf.if %cond3A_1 {
      %broadcast_in_dim3A_60 = arith.constant 0.000000e+00 : f32
      %broadcast_in_dim3A_61 = vector.broadcast %broadcast_in_dim3A_60 : f32 to vector<16x256xf32>
      %swap3A_62 = arith.constant 0 : index
      %swap3A_63 = arith.constant 0 : index
      %swap3A_64 = vector.load %arg12[%swap3A_62, %swap3A_63] : memref<16x256xf32, #tpu.memory_space<vmem>>, vector<16x256xf32>
      tpu.vector_store %arg12[%swap3A_62, %swap3A_63], %broadcast_in_dim3A_61 {strides = array<i32>} : memref<16x256xf32, #tpu.memory_space<vmem>>, vector<16x256xf32>,
      %broadcast_in_dim3A_65 = arith.constant 0.000000e+00 : f32
      %broadcast_in_dim3A_66 = vector.broadcast %broadcast_in_dim3A_65 : f32 to vector<16x256xf32>
      %swap3A_67 = arith.constant 0 : index
      %swap3A_68 = arith.constant 0 : index
      %swap3A_69 = vector.load %arg13[%swap3A_67, %swap3A_68] : memref<16x256xf32, #tpu.memory_space<vmem>>, vector<16x256xf32>
      tpu.vector_store %arg13[%swap3A_67, %swap3A_68], %broadcast_in_dim3A_66 {strides = array<i32>} : memref<16x256xf32, #tpu.memory_space<vmem>>, vector<16x256xf32>,
    } else {
    }
    %get3A = arith.constant 0 : index
    %get3A_2 = arith.constant 0 : index
    %get3A_3 = vector.load %arg1[%get3A, %get3A_2] : memref<400x128xf32, #tpu.memory_space<vmem>>, vector<400x128xf32>
    %get3A_4 = arith.constant 0 : index
    %get3A_5 = arith.constant 0 : index
    %get3A_6 = vector.load %arg3[%get3A_4, %get3A_5] : memref<400x128xf32, #tpu.memory_space<vmem>>, vector<400x128xf32>
    %add3A = arith.addf %get3A_3, %get3A_6 : vector<400x128xf32>
    %get3A_7 = arith.constant 0 : index
    %get3A_8 = arith.constant 0 : index
    %get3A_9 = vector.load %arg2[%get3A_7, %get3A_8] : memref<400x128xf32, #tpu.memory_space<vmem>>, vector<400x128xf32>
    %get3A_10 = arith.constant 0 : index
    %get3A_11 = arith.constant 0 : index
    %get3A_12 = vector.load %arg4[%get3A_10, %get3A_11] : memref<400x128xf32, #tpu.memory_space<vmem>>, vector<400x128xf32>
    %add3A_13 = arith.addf %get3A_9, %get3A_12 : vector<400x128xf32>
    %concatenate3A = tpu.concatenate %add3A, %add3A_13 in 1 : vector<400x128xf32>, vector<400x128xf32> -> vector<400x256xf32>
    %get3A_14 = arith.constant 0 : index
    %get3A_15 = arith.constant 0 : index
    %get3A_16 = vector.load %arg5[%get3A_14, %get3A_15] : memref<400x1xf32, #tpu.memory_space<vmem>>, vector<400x1xf32>
    %mul3A = vector.broadcast %get3A_16 : vector<400x1xf32> to vector<400x256xf32>
    %mul3A_17 = arith.mulf %concatenate3A, %mul3A : vector<400x256xf32>
    %get3A_18 = arith.constant 0 : index
    %get3A_19 = arith.constant 0 : index
    %get3A_20 = vector.load %arg7[%get3A_18, %get3A_19] : memref<256x256xf32, #tpu.memory_space<vmem>>, vector<256x256xf32>
    %dot_general3A = arith.constant dense<0.000000e+00> : vector<400x256xf32>
    %dot_general3A_21 = tpu.matmul %mul3A_17, %get3A_20, %dot_general3A {dimension_numbers = #tpu.dot_dimension_numbers<[1], [0], [0], [1], [0, 0, 1, 1], [], []>, transpose_lhs_hint = false} : vector<400x256xf32>, vector<256x256xf32>, vector<400x256xf32> -> vector<400x256xf32>
    %get3A_22 = arith.constant 0 : index
    %get3A_23 = arith.constant 0 : index
    %get3A_24 = vector.load %arg8[%get3A_22, %get3A_23] : memref<1x256xf32, #tpu.memory_space<vmem>>, vector<1x256xf32>
    %add3A_25 = vector.broadcast %get3A_24 : vector<1x256xf32> to vector<400x256xf32>
    %add3A_26 = arith.addf %dot_general3A_21, %add3A_25 : vector<400x256xf32>
    %max3A = arith.constant 0.000000e+00 : f32
    %max3A_27 = vector.broadcast %max3A : f32 to vector<400x256xf32>
    %max3A_28 = arith.maximumf %add3A_26, %max3A_27 : vector<400x256xf32>
    %get3A_29 = arith.constant 0 : index
    %get3A_30 = arith.constant 0 : index
    %get3A_31 = arith.constant 0 : index
    %get3A_32 = vector.load %arg6[%get3A_29, %get3A_30, %get3A_31] : memref<1x1x400xi32, #tpu.memory_space<vmem>>, vector<1x1x400xi32>
    %get3A_33 = vector.shape_cast %get3A_32 : vector<1x1x400xi32> to vector<1x400xi32>
    %iota3A = tpu.iota {dimensions = array<i32: 0>} : vector<16x400xi32>
    %eq3A_34 = vector.broadcast %get3A_33 : vector<1x400xi32> to vector<16x400xi32>
    %eq3A_35 = arith.cmpi eq, %iota3A, %eq3A_34 : vector<16x400xi32>
    %convert_element_type3A_36 = arith.extui %eq3A_35 : vector<16x400xi1> to vector<16x400xi32>
    %convert_element_type3A_37 = arith.sitofp %convert_element_type3A_36 : vector<16x400xi32> to vector<16x400xf32>
    %get3A_38 = arith.constant 0 : index
    %get3A_39 = arith.constant 0 : index
    %get3A_40 = vector.load %arg12[%get3A_38, %get3A_39] : memref<16x256xf32, #tpu.memory_space<vmem>>, vector<16x256xf32>
    %dot_general3A_41 = arith.constant dense<0.000000e+00> : vector<16x256xf32>
    %dot_general3A_42 = tpu.matmul %convert_element_type3A_37, %max3A_28, %dot_general3A_41 {dimension_numbers = #tpu.dot_dimension_numbers<[1], [0], [0], [1], [0, 0, 1, 1], [], []>, transpose_lhs_hint = false} : vector<16x400xf32>, vector<400x256xf32>, vector<16x256xf32> -> vector<16x256xf32>
    %add3A_43 = arith.addf %get3A_40, %dot_general3A_42 : vector<16x256xf32>
    %swap3A = arith.constant 0 : index
    %swap3A_44 = arith.constant 0 : index
    %swap3A_45 = vector.load %arg12[%swap3A, %swap3A_44] : memref<16x256xf32, #tpu.memory_space<vmem>>, vector<16x256xf32>
    tpu.vector_store %arg12[%swap3A, %swap3A_44], %add3A_43 {strides = array<i32>} : memref<16x256xf32, #tpu.memory_space<vmem>>, vector<16x256xf32>,
    %get3A_46 = arith.constant 0 : index
    %get3A_47 = arith.constant 0 : index
    %get3A_48 = vector.load %arg13[%get3A_46, %get3A_47] : memref<16x256xf32, #tpu.memory_space<vmem>>, vector<16x256xf32>
    %reduce_sum3A = arith.constant dense<0.000000e+00> : vector<16xf32>
    %reduce_sum3A_49 = vector.multi_reduction <add>, %convert_element_type3A_37, %reduce_sum3A [1] : vector<16x400xf32> to vector<16xf32>
    %broadcast_in_dim3A = vector.shape_cast %reduce_sum3A_49 : vector<16xf32> to vector<16x1xf32>
    %add3A_50 = vector.broadcast %broadcast_in_dim3A : vector<16x1xf32> to vector<16x256xf32>
    %add3A_51 = arith.addf %get3A_48, %add3A_50 : vector<16x256xf32>
    %swap3A_52 = arith.constant 0 : index
    %swap3A_53 = arith.constant 0 : index
    %swap3A_54 = vector.load %arg13[%swap3A_52, %swap3A_53] : memref<16x256xf32, #tpu.memory_space<vmem>>, vector<16x256xf32>
    tpu.vector_store %arg13[%swap3A_52, %swap3A_53], %add3A_51 {strides = array<i32>} : memref<16x256xf32, #tpu.memory_space<vmem>>, vector<16x256xf32>,
    %eq3A_55 = arith.constant 24 : i32
    %eq3A_56 = arith.cmpi eq, %arg0, %eq3A_55 : i32
    %convert_element_type3A_57 = arith.extui %eq3A_56 : i1 to i32
    %cond3A_58 = arith.constant 0 : i32
    %cond3A_59 = arith.cmpi ne, %convert_element_type3A_57, %cond3A_58 : i32
    scf.if %cond3A_59 {
      %get3A_60 = arith.constant 0 : index
      %get3A_61 = arith.constant 0 : index
      %get3A_62 = vector.load %arg12[%get3A_60, %get3A_61] : memref<16x256xf32, #tpu.memory_space<vmem>>, vector<16x256xf32>
      %get3A_63 = arith.constant 0 : index
      %get3A_64 = arith.constant 0 : index
      %get3A_65 = vector.load %arg13[%get3A_63, %get3A_64] : memref<16x256xf32, #tpu.memory_space<vmem>>, vector<16x256xf32>
      %max3A_66 = arith.constant 1.000000e+00 : f32
      %max3A_67 = vector.broadcast %max3A_66 : f32 to vector<16x256xf32>
      %max3A_68 = arith.maximumf %get3A_65, %max3A_67 : vector<16x256xf32>
      %div3A = arith.divf %get3A_62, %max3A_68 : vector<16x256xf32>
      %get3A_69 = arith.constant 0 : index
      %get3A_70 = arith.constant 0 : index
      %get3A_71 = vector.load %arg9[%get3A_69, %get3A_70] : memref<256x128xf32, #tpu.memory_space<vmem>>, vector<256x128xf32>
      %dot_general3A_72 = arith.constant dense<0.000000e+00> : vector<16x128xf32>
      %dot_general3A_73 = tpu.matmul %div3A, %get3A_71, %dot_general3A_72 {dimension_numbers = #tpu.dot_dimension_numbers<[1], [0], [0], [1], [0, 0, 1, 1], [], []>, transpose_lhs_hint = false} : vector<16x256xf32>, vector<256x128xf32>, vector<16x128xf32> -> vector<16x128xf32>
      %get3A_74 = arith.constant 0 : index
      %get3A_75 = arith.constant 0 : index
      %get3A_76 = vector.load %arg10[%get3A_74, %get3A_75] : memref<1x128xf32, #tpu.memory_space<vmem>>, vector<1x128xf32>
      %add3A_77 = vector.broadcast %get3A_76 : vector<1x128xf32> to vector<16x128xf32>
      %add3A_78 = arith.addf %dot_general3A_73, %add3A_77 : vector<16x128xf32>
      %swap3A_79 = arith.constant 0 : index
      %swap3A_80 = arith.constant 0 : index
      %swap3A_81 = vector.load %arg11[%swap3A_79, %swap3A_80] : memref<16x128xf32, #tpu.memory_space<vmem>>, vector<16x128xf32>
      tpu.vector_store %arg11[%swap3A_79, %swap3A_80], %add3A_78 {strides = array<i32>} : memref<16x128xf32, #tpu.memory_space<vmem>>, vector<16x128xf32>,
    } else {
    }
    return
  }
  func.func @transform_0(%arg0: i32) -> (i32, i32) {
    %c0_i32 = arith.constant 0 : i32
    %c0_i32_0 = arith.constant 0 : i32
    return %arg0, %c0_i32 : i32, i32
  }
  func.func @transform_1(%arg0: i32) -> (i32, i32) {
    %c0_i32 = arith.constant 0 : i32
    %c0_i32_0 = arith.constant 0 : i32
    return %arg0, %c0_i32 : i32, i32
  }
  func.func @transform_2(%arg0: i32) -> (i32, i32) {
    %c0_i32 = arith.constant 0 : i32
    %c0_i32_0 = arith.constant 0 : i32
    return %arg0, %c0_i32 : i32, i32
  }
  func.func @transform_3(%arg0: i32) -> (i32, i32) {
    %c0_i32 = arith.constant 0 : i32
    %c0_i32_0 = arith.constant 0 : i32
    return %arg0, %c0_i32 : i32, i32
  }
  func.func @transform_4(%arg0: i32) -> (i32, i32) {
    %c0_i32 = arith.constant 0 : i32
    %c0_i32_0 = arith.constant 0 : i32
    return %arg0, %c0_i32 : i32, i32
  }
  func.func @transform_5(%arg0: i32) -> (i32, i32, i32) {
    %c0_i32 = arith.constant 0 : i32
    %c0_i32_0 = arith.constant 0 : i32
    %c0_i32_1 = arith.constant 0 : i32
    return %arg0, %c0_i32, %c0_i32_0 : i32, i32, i32
  }
  func.func @transform_6(%arg0: i32) -> (i32, i32) {
    %c0_i32 = arith.constant 0 : i32
    %c0_i32_0 = arith.constant 0 : i32
    %c0_i32_1 = arith.constant 0 : i32
    return %c0_i32, %c0_i32_0 : i32, i32
  }
  func.func @transform_7(%arg0: i32) -> (i32, i32) {
    %c0_i32 = arith.constant 0 : i32
    %c0_i32_0 = arith.constant 0 : i32
    %c0_i32_1 = arith.constant 0 : i32
    return %c0_i32, %c0_i32_0 : i32, i32
  }
  func.func @transform_8(%arg0: i32) -> (i32, i32) {
    %c0_i32 = arith.constant 0 : i32
    %c0_i32_0 = arith.constant 0 : i32
    %c0_i32_1 = arith.constant 0 : i32
    return %c0_i32, %c0_i32_0 : i32, i32
  }
  func.func @transform_9(%arg0: i32) -> (i32, i32) {
    %c0_i32 = arith.constant 0 : i32
    %c0_i32_0 = arith.constant 0 : i32
    %c0_i32_1 = arith.constant 0 : i32
    return %c0_i32, %c0_i32_0 : i32, i32
  }
  func.func @transform_10(%arg0: i32) -> (i32, i32) {
    %c0_i32 = arith.constant 0 : i32
    %c0_i32_0 = arith.constant 0 : i32
    %c0_i32_1 = arith.constant 0 : i32
    return %c0_i32, %c0_i32_0 : i32, i32
  }
}

</mosaic_0001>

<sc_bundles>
// kernel: kernel.11.cloned.1.call-start
scs
__scs_entry_jumppad:
0x0: {  	(pc) =	sbr.rel $0x88, $3  }
0x1: {  	(tag) =	ssettag $0x0;
	lr =	simm.s32 $0x1  }
0x2: {  	[smem:$0x3F98] =	sst lr;
	_ =	strace $0xD0000000  }
0x3: {  	_ = 	snop  }
0x4: {  	_ = 	snop  }
0x5: {  	_ = 	snop  }
0x6: {  	_ = 	snop  }
0x7: {  	_ = 	snop  }
__scs_overlays_trampoline_lowered:
0x8: {  	[smem:$0x3FA7] =	sst s0  }
0x9: {  	[smem:$0x3FA8] =	sst s1  }
0xa: {  	[smem:$0x3FA9] =	sst s2  }
0xb: {  	[smem:$0x3FAA] =	sst s3  }
0xc: {  	[smem:$0x3FAB] =	sst s4  }
0xd: {  	[smem:$0x3FAC] =	sst s5  }
0xe: {  	[smem:$0x3FAD] =	sst s6  }
0xf: {  	[smem:$0x3FAE] =	sst s7  }
0x10: {  	[smem:$0x3FAF] =	sst s8  }
0x11: {  	[smem:$0x3FB0] =	sst s9;
	s0 =	simm.s32 @!p0 $0x0  }
0x12: {  	s1 =	sld [smem:$0x3F96];
	s0 =	simm.s32 @p0 $0x1  }
0x13: {  	[smem:$0x3FB1] =	sst s0;
	s0 =	simm.s32 @!p1 $0x0  }
0x14: {  	s2 =	sld [smem:$0x3F95];
	s0 =	simm.s32 @p1 $0x1  }
0x15: {  	[smem:$0x3FB2] =	sst s0;
	s0 =	simm.s32 @!p2 $0x0  }
0x16: {  	s3 =	sld [smem:$0x3FDB];
	s0 =	simm.s32 @p2 $0x1  }
0x17: {  	s4 =	simm.s32 $0x1BF5;
	[smem:$0x3FB4] =	sst s0  }
0x18: {  	s0 =	sld [smem:$0x3F97];
	_ =	swait.ge [sflag:s4], $0x0  }
0x19: {  	s7 =	sld [smem:$0x3F98]  }
0x1a: {  	s8 =	sadd.s32 $0xFFFFE003, lr  }
0x1b: {  	s9 =	sadd.s32 $0xFFFFFEF7, lr;
	s5 =	simm.s32 $0xFFFFFFFF;
	p2 =	slt.u32 s8, $0xFFFFF086  }
0x1c: {  	p1 =	slt.u32 s9, $0xF7A;
	s5 =	simm.s32 @!p2 $0x0  }
0x1d: {  	s5 =	simm.s32 @p1 $0x1;
	p0 =	seq.s32 s7, s2  }
0x1e: {  	s7 =	smul.u32 @!p0 $0xF7A, s2;
	p2 =	seq.s32 @!p0 s5, $0x0  }
0x1f: {  	s9 =	smul.u32 $0xF7A, s1;
	s8 =	simm.s32 @!p0 $0x1BF5;
	p2 =	por !p2, p0  }
0x20: {  	[sflag:s8] =	ssyncset.s32 @!p0 $0xFFFFF086;
	s6 =	sadd.s32 @!p0 s3, s7;
	s7 =	simm.s32 @!p0 $0x108  }
0x21: {  	s3 =	sadd.s32 s3, s9;
	s6 =	sadd.s32 @!p0 $0x88, s6;
	s7 =	simm.s32 @p2 $0x1082  }
0x22: {  	[simem:s7], [sflag:s8] =	dma.local @!p0 [hbm:s6], $0xF7A  }
0x23: {  	s9 =	sor.u32 $0xD0000000, s2;
	s6 =	simm.s32 $0x108;
	_ =	swait.ge @!p0 [sflag:s8], $0x0  }
0x24: {  	s3 =	sadd.s32 $0x88, s3;
	s6 =	simm.s32 @!p1 $0x1082;
	[sflag:s4] =	ssyncset.s32 $0xFFFFF086  }
0x25: {  	[simem:s6], [sflag:s4] =	dma.local [hbm:s3], $0xF7A  }
0x26: {  	[smem:$0x3F98] =	sst s1;
	(tag) =	ssettag s2;
	_ =	strace s9  }
0x27: {  	s1 =	sld [smem:$0x3FA8]  }
0x28: {  	s2 =	sld [smem:$0x3FA9]  }
0x29: {  	s4 =	sld [smem:$0x3FAB]  }
0x2a: {  	p0 =	seq.s32 s5, $0x0;
	s5 =	sld [smem:$0x3FAC]  }
0x2b: {  	s6 =	sld [smem:$0x3FAD]  }
0x2c: {  	s7 =	sld [smem:$0x3FAE]  }
0x2d: {  	s3 =	simm.s32 $0x108;
	s8 =	sld [smem:$0x3FAF]  }
0x2e: {  	s3 =	simm.s32 @!p0 $0x1082;
	s9 =	sld [smem:$0x3FB0]  }
0x2f: {  	lr =	sadd.s32 s0, s3;
	s0 =	sld [smem:$0x3FA7]  }
0x30: {  	s3 =	sld [smem:$0x3FAA]  }
0x31: {  	[smem:$0x3FB3] =	sst s10  }
0x32: {  	s10 =	sld [smem:$0x3FB1];
	_ =	sdelay $0x3  }
0x33: {  	p0 =	seq.s32 s10, $0x1;
	s10 =	sld [smem:$0x3FB3];
	_ =	sdelay $0x3  }
0x34: {  	[smem:$0x3FB3] =	sst s10  }
0x35: {  	s10 =	sld [smem:$0x3FB2];
	_ =	sdelay $0x3  }
0x36: {  	p1 =	seq.s32 s10, $0x1;
	s10 =	sld [smem:$0x3FB3];
	_ =	sdelay $0x3  }
0x37: {  	[smem:$0x3FB3] =	sst s10  }
0x38: {  	s10 =	sld [smem:$0x3FB4]  }
0x39: {  	_ = 	snop;
	(pc) =	sbr.ind lr, $3  }
0x3a: {  	_ = 	snop  }
0x3b: {  	_ = 	snop  }
0x3c: {  	p2 =	seq.s32 s10, $0x1;
	s10 =	sld [smem:$0x3FB3]  }
0x3d: {  	_ =	shalt  }
0x3e: {  	_ =	shalt  }
0x3f: {  	_ =	shalt  }
0x40: {  	_ =	shalt  }
0x41: {  	_ =	shalt  }
0x42: {  	_ =	shalt  }
0x43: {  	_ =	shalt  }
0x44: {  	_ =	shalt  }
0x45: {  	_ =	shalt  }
0x46: {  	_ =	shalt  }
0x47: {  	_ =	shalt  }
0x48: {  	_ =	shalt  }
0x49: {  	_ =	shalt  }
0x4a: {  	_ =	shalt  }
0x4b: {  	_ =	shalt  }
0x4c: {  	_ =	shalt  }
0x4d: {  	_ =	shalt  }
0x4e: {  	_ =	shalt  }
0x4f: {  	_ =	shalt  }
0x50: {  	_ =	shalt  }
0x51: {  	_ =	shalt  }
0x52: {  	_ =	shalt  }
0x53: {  	_ =	shalt  }
0x54: {  	_ =	shalt  }
0x55: {  	_ =	shalt  }
0x56: {  	_ =	shalt  }
0x57: {  	_ =	shalt  }
0x58: {  	_ =	shalt  }
0x59: {  	_ =	shalt  }
0x5a: {  	_ =	shalt  }
0x5b: {  	_ =	shalt  }
0x5c: {  	_ =	shalt  }
0x5d: {  	_ =	shalt  }
0x5e: {  	_ =	shalt  }
0x5f: {  	_ =	shalt  }
0x60: {  	_ =	shalt  }
0x61: {  	_ =	shalt  }
0x62: {  	_ =	shalt  }
0x63: {  	_ =	shalt  }
0x64: {  	_ =	shalt  }
0x65: {  	_ =	shalt  }
0x66: {  	_ =	shalt  }
0x67: {  	_ =	shalt  }
0x68: {  	_ =	shalt  }
0x69: {  	_ =	shalt  }
0x6a: {  	_ =	shalt  }
0x6b: {  	_ =	shalt  }
0x6c: {  	_ =	shalt  }
0x6d: {  	_ =	shalt  }
0x6e: {  	_ =	shalt  }
0x6f: {  	_ =	shalt  }
0x70: {  	_ =	shalt  }
0x71: {  	_ =	shalt  }
0x72: {  	_ =	shalt  }
0x73: {  	_ =	shalt  }
0x74: {  	_ =	shalt  }
0x75: {  	_ =	shalt  }
0x76: {  	_ =	shalt  }
0x77: {  	_ =	shalt  }
0x78: {  	_ =	shalt  }
0x79: {  	_ =	shalt  }
0x7a: {  	_ =	shalt  }
0x7b: {  	_ =	shalt  }
0x7c: {  	_ =	shalt  }
0x7d: {  	_ =	shalt  }
0x7e: {  	_ =	shalt  }
0x7f: {  	_ =	shalt  }
0x80: {  	_ =	shalt  }
0x81: {  	_ =	shalt  }
0x82: {  	_ =	shalt  }
0x83: {  	_ =	shalt  }
0x84: {  	_ =	shalt  }
0x85: {  	_ =	shalt  }
0x86: {  	_ =	shalt  }
0x87: {  	_ =	shalt  }
.Lfunc_end0:
.L_simem_size_0:
called_computation.1_lowered:
.L_overlay_start_0:
0x88: {  	s2 =	sld [smem:$0x3FD9]  }
0x89: {  	s3 =	sld [smem:$0x3FFE];
	_ =	sdelay $0x1  }
0x8a: {  	s1 =	srdreg.scid  }
0x8b: {  	s0 =	sand.u32 $0x1, s1  }
0x8c: {  	s16 =	sshll.u32 s0, $0xA;
	s2 =	sadd.s32 s3, s2  }
0x8d: {  	s2 =	sadd.s32 s2, s16  }
0x8e: {  	[smem:$0x3FBF] =	sst s2  }
0x8f: {  	_ = 	snop  }
0x90: {  	(tm) =	ssettm $0x1  }
0x91: {  	s17 =	sld [smem:$0x3FFB];
	_ =	sdelay $0x3  }
0x92: {  	_ =	strace s17  }
0x93: {  	s2 =	sld [smem:$0x3FFC];
	_ =	sdelay $0x3  }
0x94: {  	_ =	strace s2  }
0x95: {  	s2 =	sld [smem:$0x3FFD];
	_ =	sdelay $0x3  }
0x96: {  	_ =	strace s2  }
0x97: {  	_ =	strace $0x8FFFFFFF  }
0x98: {  	s18 =	sld [smem:$0x3FDB];
	_ =	sdelay $0x1  }
0x99: {  	s19 =	simm.s32 $_scs_section_size  }
0x9a: {  	s4 =	simm.s32 $_size__tile_overlayer_lowered;
	s5 =	simm.s32 $_tile_overlayer_lowered  }
0x9b: {  	s22 =	simm.s32 $0x1BFF;
	s21 =	sshll.u32 s5, $0x1;
	s2 =	sadd.s32 s19, s18  }
0x9c: {  	s6 =	simm.s32 $0x0;
	s20 =	sshll.u32 s4, $0x1;
	s4 =	sadd.s32 s21, s2  }
0x9d: {  	[timem:s6], [sflag:s22] =	dma.local [hbm:s4], s20  }
0x9e: {  	_ =	swait.ge [sflag:s22], s20  }
0x9f: {  	s3 =	ssub.s32 $0x0, s20;
	[sflag:s22] =	ssyncset.done $0x0  }
0xa0: {  	[sflag:s22] =	ssyncadd.s32 s3;
	_ =	sdelay $0x1  }
0xa1: {  	s23 =	simm.s32 $0x1B8B  }
0xa2: {  	_ =	swait.ge [sflag:s23], $0x1  }
0xa3: {  	[sflag:s23] =	ssyncset.done $0x0  }
0xa4: {  	s25 =	simm.s32 $0x1B8E;
	s24 =	sld [smem:$0x3FFE];
	[sflag:s23] =	ssyncadd.s32 $0xFFFFFFFF  }
0xa5: {  	s26 =	simm.s32 $execute0_lowered;
	[smem:$0x3FD2] =	sst s25  }
0xa6: {  	s4 =	sshll.u32 s26, $0x1;
	_ =	strace $0x80000049;
	[dreg:$0x1] =	wrdreg $0xFFFFFFFF  }
0xa7: {  	s28 =	simm.s32 $_size_execute0_lowered;
	s2 =	sadd.s32 s2, s4;
	[dreg:$0x0] =	wrdreg $0x0  }
0xa8: {  	s4 =	sshll.u32 s28, $0x1;
	[dreg:$0x2] =	wrdreg s2  }
0xa9: {  	[dreg:$0x3] =	wrdreg s4  }
0xaa: {  	[dreg:$0x4] =	wrdreg $0xC0  }
0xab: {  	_ =	task [dreg:s6], $0x5FFFF  }
0xac: {  	[dreg:$0x1] =	wrdreg $0xFFFFFFFF  }
0xad: {  	[dreg:$0x0] =	wrdreg $0x60  }
0xae: {  	[dreg:$0x2] =	wrdreg s24  }
0xaf: {  	[dreg:$0x3] =	wrdreg $0x90000  }
0xb0: {  	[dreg:$0x4] =	wrdreg $0x9  }
0xb1: {  	_ =	task.clear_ibuf [dreg:s6], $0x5FFFF;
	_ =	strace $0x90000049  }
0xb2: {  	s29 =	simm.s32 $0x9;
	_ =	strace $0x8000004B  }
0xb3: {  	_ =	swait.ge [sflag:s29], $0x1  }
0xb4: {  	[sflag:s29] =	ssyncadd.s32 $0xFFFFFFFF  }
0xb5: {  	_ =	strace $0x9000004B  }
0xb6: {  	_ =	sfence  }
0xb7: {  	s30 =	sld [smem:$0x0];
	_ =	sdelay $0x2  }
0xb8: {  	s31 =	sshll.u32 s1, $0xD;
	s1 =	sshrl.u32 s1, $0x2  }
0xb9: {  	s3 =	sand.u32 $0x4000, s31;
	s1 =	sadd.s32 s1, s30  }
0xba: {  	s0 =	sor.u32 s3, s0;
	s1 =	sshll.u32 s1, $0x11  }
0xbb: {  	s0 =	sor.u32 s1, s0  }
0xbc: {  	s0 =	sadd.s32 $0x8F2B, s0  }
0xbd: {  	[sflag:s0] =	ssyncadd.remote.s32 $0x1  }
0xbe: {  	_ =	sfence.sel $0xFFFF  }
0xbf: {  	[dreg:$0x0] =	wrdreg $0xFFFFFFFF;
	(pc) =	sbr.abs _section_cstart, $3  }
0xc0: {  	[dreg:$0x1] =	wrdreg $0xFFFFFFFF  }
0xc1: {  	_ =	task.clear_ibuf [dreg:s6], $0x2FFFF;
	_ =	strace $0x9FFFFFFF  }
0xc2: {  	(tm) =	ssettm $0x7FFFFFFF  }
0xc3: {  	_ =	shalt  }
tec
execute0_lowered:
.L_overlay_start_1:
0x0: {  	(tag) =	ssettag $0x1  }
0x1: {  	s6 =	rddreg [dreg:$0x0]  }
0x2: {  	s0 =	srdreg.scid;
	s2 =	rddreg [dreg:$0x1];
	s3 =	simm.s32 $0x0  }
0x3: {  	s14 =	simm.s32 $0x80;
	s5 =	sand.u32 $0x1, s0;
	s0 =	stileid.u32  }
0x4: {  	s15 =	simm.s32 $0x5000;
	s16 =	simm.s32 $0x0;
	s7 =	smul.u32 $0x14000, s0  }
0x5: {  	[smem:$0x7FF] =	sst s3;
	s1 =	sshll.u32 s5, $0x4;
	s8 =	smul.u32 $0x140000, s5  }
0x6: {  	s28 =	smul.u32 $0x50000, s0;
	s5 =	ssub.s32 $0x2, s5;
	s1 =	sor.u32 s0, s1  }
0x7: {  	s31 =	sshll.u32 s0, $0x6;
	s29 =	sshrl.u32 s5, $0x1;
	s4 =	smul.u32 $0x500, s1  }
0x8: {  	s1 =	rddreg [dreg:$0x2];
	_ =	strace $0x8000004A;
	s10 =	sshrl.u32 s7, $0x3  }
0x9: {  	s7 =	sadd.s32 s7, s8;
	s30 =	sshrl.u32 s28, $0x2;
	s12 =	ssub.s32 s5, s29  }
0xa: {  	s10 =	sadd.s32 s10, s6;
	s7 =	sshrl.u32 s7, $0x3;
	s13 =	sadd.s32 s30, s2  }
0xb: {  	s9 =	sadd.s32 s4, s6;
	s4 =	sadd.s32 $0x3E200, s6;
	s11 =	sadd.s32 s7, s6  }
0xc: {  	s5 =	sadd.s32 $0x65400, s10;
	s6 =	sor.u32 $0x1C01, s31;
	s10 =	smax.u32 s12, $0x1  }
0xd: {  	s12 =	simm.s32 $0x1;
	s7 =	sadd.s32 $0xD000, s9;
	s8 =	sadd.s32 $0x2600, s9  }
0xe: {  	s9 =	sadd.s32 $0x8D400, s11;
	s11 =	sshrl.u32 s13, $0x3;
	s13 =	simm.s32 $0x2800  }
.LBB2_1:
0xf: {  	[spmem:s11], [sflag:s6] =	dma.local [hbm:s5], $0x2800  }
0x10: {  	_ =	swait.ge [sflag:s12], $0x2800  }
0x11: {  	[sflag:s12] =	ssyncset.done $0x0  }
0x12: {  	[sflag:s12] =	ssyncadd.s32 $0xFFFFD800  }
0x13: {  	[tilespmem:s3], [sflag:$0x1] =	stream.linear.gather [hbm4b:s7+s3], $0x2780, $0x38;
	[tilespmem:$0x1D000] =	vst v63  }
0x14: {  	_ =	swait.ge [sflag:s12], $0x2780  }
0x15: {  	[sflag:s12] =	ssyncset.done $0x0  }
0x16: {  	[sflag:s12] =	ssyncadd.s32 $0xFFFFD880  }
0x17: {  	[tilespmem:s13], [sflag:$0x1] =	stream.linear.gather [hbm4b:s8+s3], $0x2780, $0x38;
	[tilespmem:$0x1D000] =	vst v63  }
0x18: {  	_ =	swait.ge [sflag:s12], $0x2780  }
0x19: {  	[sflag:s12] =	ssyncset.done $0x0  }
0x1a: {  	[sflag:s12] =	ssyncadd.s32 $0xFFFFD880  }
0x1b: {  	s17 =	simm.s32 $0x0;
	[bflag:$0x0] =	sbarrier.arrive $0xFFFF  }
0x1c: {  	[tilespmem:s15], [sflag:$0x1] =	stream.indirect.gather [hbm4b:s4+s14], $0x80, s17, s14, $0xb8;
	[tilespmem:$0x1D000] =	vst v63  }
0x1d: {  	_ =	swait.ge [sflag:s12], $0x4000  }
0x1e: {  	[sflag:s12] =	ssyncset.done $0x0  }
0x1f: {  	s31 =	simm.s32 $0x2800;
	[sflag:s12] =	ssyncadd.s32 $0xFFFFC000  }
0x20: {  	[spmem:s2] =	stream.indirect.scatter.add.f32 [tilespmem:s15], [sflag:$0x1], $0x80, s31, s14, $0xb8;
	[tilespmem:$0x1D000] =	vst v63  }
0x21: {  	_ =	swait.ge [sflag:s12], $0x4000  }
0x22: {  	s18 =	simm.s32 $0x400;
	s17 =	simm.s32 $0x200;
	[sflag:s12] =	ssyncset.done $0x0  }
.LBB2_2:
0x23: {  	s19 =	sshra.s32 s17, $0x2  }
0x24: {  	[sflag:s12] =	ssyncadd.s32 $0xFFFFC000;
	s17 =	smov.u32 s18;
	s20 =	sadd.s32 $0x200, s18  }
0x25: {  	[tilespmem:s15], [sflag:$0x1] =	stream.indirect.gather [hbm4b:s4+s14], $0x80, s19, s14, $0xb8;
	[tilespmem:$0x1D000] =	vst v63  }
0x26: {  	p0 =	sne.s32 s18, $0x9C00;
	_ =	swait.ge [sflag:s12], $0x4000  }
.Ltmp0:
0x27: {  	[sflag:s12] =	ssyncset.done $0x0;
	(pc) =	sbr.rel @p0 .LBB2_2-.Ltmp0, $4  }
0x28: {  	s18 =	sadd.s32 $0x2800, s19;
	[sflag:s12] =	ssyncadd.s32 $0xFFFFC000  }
0x29: {  	[spmem:s2] =	stream.indirect.scatter.add.f32 [tilespmem:s15], [sflag:$0x1], $0x80, s18, s14, $0xb8;
	[tilespmem:$0x1D000] =	vst v63  }
0x2a: {  	_ =	swait.ge [sflag:s12], $0x4000  }
0x2b: {  	s18 =	smov.u32 s20;
	[sflag:s12] =	ssyncset.done $0x0  }
0x2c: {  	s17 =	sshra.s32 s17, $0x2;
	[sflag:s12] =	ssyncadd.s32 $0xFFFFC000  }
0x2d: {  	[tilespmem:s15], [sflag:$0x1] =	stream.indirect.gather [hbm4b:s4+s14], $0x80, s17, s14, $0xb8;
	[tilespmem:$0x1D000] =	vst v63  }
0x2e: {  	_ =	swait.ge [sflag:s12], $0x4000  }
0x2f: {  	[sflag:s12] =	ssyncset.done $0x0  }
0x30: {  	s17 =	sadd.s32 $0x2800, s17;
	[sflag:s12] =	ssyncadd.s32 $0xFFFFC000  }
0x31: {  	[spmem:s2] =	stream.indirect.scatter.add.f32 [tilespmem:s15], [sflag:$0x1], $0x80, s17, s14, $0xb8;
	[tilespmem:$0x1D000] =	vst v63  }
0x32: {  	_ =	swait.ge [sflag:s12], $0x4000  }
0x33: {  	s16 =	sadd.s32 $0x1, s16;
	[sflag:s12] =	ssyncset.done $0x0  }
0x34: {  	p0 =	sne.s32 s16, s10;
	[sflag:s12] =	ssyncadd.s32 $0xFFFFC000  }
.Ltmp1:
0x35: {  	[bflag:$0x0] =	sbarrier.arrive $0xFFFF;
	(pc) =	sbr.rel @p0 .LBB2_1-.Ltmp1, $4  }
0x36: {  	[hbm:s9], [sflag:s6] =	dma.local [spmem:s11], $0x2800  }
0x37: {  	_ =	swait.ge [sflag:s12], $0x2800  }
0x38: {  	[sflag:s12] =	ssyncset.done $0x0  }
0x39: {  	[sflag:s12] =	ssyncadd.s32 $0xFFFFD800  }
0x3a: {  	_ =	sfence.sel $0x180000  }
0x3b: {  	[bflag:$0x0] =	sbarrier.arrive $0xFFFF  }
0x3c: {  	p0 =	sne.s32 s0, $0x0;
	_ =	strace $0x9000004A  }
0x3d: {  	s0 =	sadd.s32 @!p0 $0x100000, s1;
	[bflag:$0x2] =	sbarrier.arrive $0xFFFF  }
0x3e: {  	[sflag:s0] =	ssyncadd.tile.s32 @!p0 $0x1;
	_ =	shalt  }
.Lfunc_end2:
_tile_overlayer_lowered:
.L_overlay_start_2:
0x3f: {  	(tag) =	ssettag $0x2  }
0x40: {  	s0 =	rddreg [dreg:$0x0];
	s2 =	stileid.u32  }
0x41: {  	s1 =	rddreg [dreg:$0x1];
	p0 =	sne.s32 s2, $0x0  }
0x42: {  	s3 =	rddreg [dreg:$0x2];
	[bflag:$0x3] =	sbarrier.arrive $0xFFFF;
	s2 =	simm.s32 @!p0 $0x1C01  }
0x43: {  	[timem:s3], [sflag:s2] =	dma.local @!p0 [hbm:s0], s1  }
0x44: {  	s0 =	simm.s32 @!p0 $0x1  }
0x45: {  	_ =	swait.ge @!p0 [sflag:s0], s1  }
0x46: {  	s1 =	ssub.s32 @!p0 $0x0, s1;
	[sflag:s0] =	ssyncset.done @!p0 $0x0  }
0x47: {  	[sflag:s0] =	ssyncadd.s32 @!p0 s1  }
0x48: {  	[bflag:$0x3] =	sbarrier.arrive $0xFFFF  }
0x49: {  	_ =	shalt  }

// kernel: kernel.14.cloned.1.call-start
scs
__scs_entry_jumppad:
0x0: {  	(pc) =	sbr.rel $0x88, $3  }
0x1: {  	(tag) =	ssettag $0x0;
	lr =	simm.s32 $0x1  }
0x2: {  	[smem:$0x3F98] =	sst lr;
	_ =	strace $0xD0000000  }
0x3: {  	_ = 	snop  }
0x4: {  	_ = 	snop  }
0x5: {  	_ = 	snop  }
0x6: {  	_ = 	snop  }
0x7: {  	_ = 	snop  }
__scs_overlays_trampoline_lowered:
0x8: {  	[smem:$0x3FA7] =	sst s0  }
0x9: {  	[smem:$0x3FA8] =	sst s1  }
0xa: {  	[smem:$0x3FA9] =	sst s2  }
0xb: {  	[smem:$0x3FAA] =	sst s3  }
0xc: {  	[smem:$0x3FAB] =	sst s4  }
0xd: {  	[smem:$0x3FAC] =	sst s5  }
0xe: {  	[smem:$0x3FAD] =	sst s6  }
0xf: {  	[smem:$0x3FAE] =	sst s7  }
0x10: {  	[smem:$0x3FAF] =	sst s8  }
0x11: {  	[smem:$0x3FB0] =	sst s9;
	s0 =	simm.s32 @!p0 $0x0  }
0x12: {  	s1 =	sld [smem:$0x3F96];
	s0 =	simm.s32 @p0 $0x1  }
0x13: {  	[smem:$0x3FB1] =	sst s0;
	s0 =	simm.s32 @!p1 $0x0  }
0x14: {  	s2 =	sld [smem:$0x3F95];
	s0 =	simm.s32 @p1 $0x1  }
0x15: {  	[smem:$0x3FB2] =	sst s0;
	s0 =	simm.s32 @!p2 $0x0  }
0x16: {  	s3 =	sld [smem:$0x3FDB];
	s0 =	simm.s32 @p2 $0x1  }
0x17: {  	s4 =	simm.s32 $0x1BF5;
	[smem:$0x3FB4] =	sst s0  }
0x18: {  	s0 =	sld [smem:$0x3F97];
	_ =	swait.ge [sflag:s4], $0x0  }
0x19: {  	s7 =	sld [smem:$0x3F98]  }
0x1a: {  	s8 =	sadd.s32 $0xFFFFE003, lr  }
0x1b: {  	s9 =	sadd.s32 $0xFFFFFEF7, lr;
	s5 =	simm.s32 $0xFFFFFFFF;
	p2 =	slt.u32 s8, $0xFFFFF086  }
0x1c: {  	p1 =	slt.u32 s9, $0xF7A;
	s5 =	simm.s32 @!p2 $0x0  }
0x1d: {  	s5 =	simm.s32 @p1 $0x1;
	p0 =	seq.s32 s7, s2  }
0x1e: {  	s7 =	smul.u32 @!p0 $0xF7A, s2;
	p2 =	seq.s32 @!p0 s5, $0x0  }
0x1f: {  	s9 =	smul.u32 $0xF7A, s1;
	s8 =	simm.s32 @!p0 $0x1BF5;
	p2 =	por !p2, p0  }
0x20: {  	[sflag:s8] =	ssyncset.s32 @!p0 $0xFFFFF086;
	s6 =	sadd.s32 @!p0 s3, s7;
	s7 =	simm.s32 @!p0 $0x108  }
0x21: {  	s3 =	sadd.s32 s3, s9;
	s6 =	sadd.s32 @!p0 $0x88, s6;
	s7 =	simm.s32 @p2 $0x1082  }
0x22: {  	[simem:s7], [sflag:s8] =	dma.local @!p0 [hbm:s6], $0xF7A  }
0x23: {  	s9 =	sor.u32 $0xD0000000, s2;
	s6 =	simm.s32 $0x108;
	_ =	swait.ge @!p0 [sflag:s8], $0x0  }
0x24: {  	s3 =	sadd.s32 $0x88, s3;
	s6 =	simm.s32 @!p1 $0x1082;
	[sflag:s4] =	ssyncset.s32 $0xFFFFF086  }
0x25: {  	[simem:s6], [sflag:s4] =	dma.local [hbm:s3], $0xF7A  }
0x26: {  	[smem:$0x3F98] =	sst s1;
	(tag) =	ssettag s2;
	_ =	strace s9  }
0x27: {  	s1 =	sld [smem:$0x3FA8]  }
0x28: {  	s2 =	sld [smem:$0x3FA9]  }
0x29: {  	s4 =	sld [smem:$0x3FAB]  }
0x2a: {  	p0 =	seq.s32 s5, $0x0;
	s5 =	sld [smem:$0x3FAC]  }
0x2b: {  	s6 =	sld [smem:$0x3FAD]  }
0x2c: {  	s7 =	sld [smem:$0x3FAE]  }
0x2d: {  	s3 =	simm.s32 $0x108;
	s8 =	sld [smem:$0x3FAF]  }
0x2e: {  	s3 =	simm.s32 @!p0 $0x1082;
	s9 =	sld [smem:$0x3FB0]  }
0x2f: {  	lr =	sadd.s32 s0, s3;
	s0 =	sld [smem:$0x3FA7]  }
0x30: {  	s3 =	sld [smem:$0x3FAA]  }
0x31: {  	[smem:$0x3FB3] =	sst s10  }
0x32: {  	s10 =	sld [smem:$0x3FB1];
	_ =	sdelay $0x3  }
0x33: {  	p0 =	seq.s32 s10, $0x1;
	s10 =	sld [smem:$0x3FB3];
	_ =	sdelay $0x3  }
0x34: {  	[smem:$0x3FB3] =	sst s10  }
0x35: {  	s10 =	sld [smem:$0x3FB2];
	_ =	sdelay $0x3  }
0x36: {  	p1 =	seq.s32 s10, $0x1;
	s10 =	sld [smem:$0x3FB3];
	_ =	sdelay $0x3  }
0x37: {  	[smem:$0x3FB3] =	sst s10  }
0x38: {  	s10 =	sld [smem:$0x3FB4]  }
0x39: {  	_ = 	snop;
	(pc) =	sbr.ind lr, $3  }
0x3a: {  	_ = 	snop  }
0x3b: {  	_ = 	snop  }
0x3c: {  	p2 =	seq.s32 s10, $0x1;
	s10 =	sld [smem:$0x3FB3]  }
0x3d: {  	_ =	shalt  }
0x3e: {  	_ =	shalt  }
0x3f: {  	_ =	shalt  }
0x40: {  	_ =	shalt  }
0x41: {  	_ =	shalt  }
0x42: {  	_ =	shalt  }
0x43: {  	_ =	shalt  }
0x44: {  	_ =	shalt  }
0x45: {  	_ =	shalt  }
0x46: {  	_ =	shalt  }
0x47: {  	_ =	shalt  }
0x48: {  	_ =	shalt  }
0x49: {  	_ =	shalt  }
0x4a: {  	_ =	shalt  }
0x4b: {  	_ =	shalt  }
0x4c: {  	_ =	shalt  }
0x4d: {  	_ =	shalt  }
0x4e: {  	_ =	shalt  }
0x4f: {  	_ =	shalt  }
0x50: {  	_ =	shalt  }
0x51: {  	_ =	shalt  }
0x52: {  	_ =	shalt  }
0x53: {  	_ =	shalt  }
0x54: {  	_ =	shalt  }
0x55: {  	_ =	shalt  }
0x56: {  	_ =	shalt  }
0x57: {  	_ =	shalt  }
0x58: {  	_ =	shalt  }
0x59: {  	_ =	shalt  }
0x5a: {  	_ =	shalt  }
0x5b: {  	_ =	shalt  }
0x5c: {  	_ =	shalt  }
0x5d: {  	_ =	shalt  }
0x5e: {  	_ =	shalt  }
0x5f: {  	_ =	shalt  }
0x60: {  	_ =	shalt  }
0x61: {  	_ =	shalt  }
0x62: {  	_ =	shalt  }
0x63: {  	_ =	shalt  }
0x64: {  	_ =	shalt  }
0x65: {  	_ =	shalt  }
0x66: {  	_ =	shalt  }
0x67: {  	_ =	shalt  }
0x68: {  	_ =	shalt  }
0x69: {  	_ =	shalt  }
0x6a: {  	_ =	shalt  }
0x6b: {  	_ =	shalt  }
0x6c: {  	_ =	shalt  }
0x6d: {  	_ =	shalt  }
0x6e: {  	_ =	shalt  }
0x6f: {  	_ =	shalt  }
0x70: {  	_ =	shalt  }
0x71: {  	_ =	shalt  }
0x72: {  	_ =	shalt  }
0x73: {  	_ =	shalt  }
0x74: {  	_ =	shalt  }
0x75: {  	_ =	shalt  }
0x76: {  	_ =	shalt  }
0x77: {  	_ =	shalt  }
0x78: {  	_ =	shalt  }
0x79: {  	_ =	shalt  }
0x7a: {  	_ =	shalt  }
0x7b: {  	_ =	shalt  }
0x7c: {  	_ =	shalt  }
0x7d: {  	_ =	shalt  }
0x7e: {  	_ =	shalt  }
0x7f: {  	_ =	shalt  }
0x80: {  	_ =	shalt  }
0x81: {  	_ =	shalt  }
0x82: {  	_ =	shalt  }
0x83: {  	_ =	shalt  }
0x84: {  	_ =	shalt  }
0x85: {  	_ =	shalt  }
0x86: {  	_ =	shalt  }
0x87: {  	_ =	shalt  }
.Lfunc_end0:
.L_simem_size_0:
called_computation.2_lowered:
.L_overlay_start_0:
0x88: {  	s2 =	sld [smem:$0x3FD9]  }
0x89: {  	s3 =	sld [smem:$0x3FFE];
	_ =	sdelay $0x1  }
0x8a: {  	s1 =	srdreg.scid  }
0x8b: {  	s0 =	sand.u32 $0x1, s1  }
0x8c: {  	s16 =	sshll.u32 s0, $0xA;
	s2 =	sadd.s32 s3, s2  }
0x8d: {  	s2 =	sadd.s32 s2, s16  }
0x8e: {  	[smem:$0x3FBF] =	sst s2  }
0x8f: {  	_ = 	snop  }
0x90: {  	(tm) =	ssettm $0x1  }
0x91: {  	s17 =	sld [smem:$0x3FFB];
	_ =	sdelay $0x3  }
0x92: {  	_ =	strace s17  }
0x93: {  	s2 =	sld [smem:$0x3FFC];
	_ =	sdelay $0x3  }
0x94: {  	_ =	strace s2  }
0x95: {  	s2 =	sld [smem:$0x3FFD];
	_ =	sdelay $0x3  }
0x96: {  	_ =	strace s2  }
0x97: {  	_ =	strace $0x8FFFFFFF  }
0x98: {  	s18 =	sld [smem:$0x3FDB];
	_ =	sdelay $0x1  }
0x99: {  	s19 =	simm.s32 $_scs_section_size  }
0x9a: {  	s4 =	simm.s32 $_size__tile_overlayer_lowered;
	s5 =	simm.s32 $_tile_overlayer_lowered  }
0x9b: {  	s22 =	simm.s32 $0x1BFF;
	s21 =	sshll.u32 s5, $0x1;
	s2 =	sadd.s32 s19, s18  }
0x9c: {  	s6 =	simm.s32 $0x0;
	s20 =	sshll.u32 s4, $0x1;
	s4 =	sadd.s32 s21, s2  }
0x9d: {  	[timem:s6], [sflag:s22] =	dma.local [hbm:s4], s20  }
0x9e: {  	_ =	swait.ge [sflag:s22], s20  }
0x9f: {  	s3 =	ssub.s32 $0x0, s20;
	[sflag:s22] =	ssyncset.done $0x0  }
0xa0: {  	[sflag:s22] =	ssyncadd.s32 s3;
	_ =	sdelay $0x1  }
0xa1: {  	s23 =	simm.s32 $0x1B8B  }
0xa2: {  	_ =	swait.ge [sflag:s23], $0x1  }
0xa3: {  	[sflag:s23] =	ssyncset.done $0x0  }
0xa4: {  	s25 =	simm.s32 $0x1B8E;
	s24 =	sld [smem:$0x3FFE];
	[sflag:s23] =	ssyncadd.s32 $0xFFFFFFFF  }
0xa5: {  	s26 =	simm.s32 $execute0_lowered;
	[smem:$0x3FD2] =	sst s25  }
0xa6: {  	s4 =	sshll.u32 s26, $0x1;
	_ =	strace $0x8000004C;
	[dreg:$0x1] =	wrdreg $0xFFFFFFFF  }
0xa7: {  	s28 =	simm.s32 $_size_execute0_lowered;
	s2 =	sadd.s32 s2, s4;
	[dreg:$0x0] =	wrdreg $0x0  }
0xa8: {  	s4 =	sshll.u32 s28, $0x1;
	[dreg:$0x2] =	wrdreg s2  }
0xa9: {  	[dreg:$0x3] =	wrdreg s4  }
0xaa: {  	[dreg:$0x4] =	wrdreg $0xC0  }
0xab: {  	_ =	task [dreg:s6], $0x5FFFF  }
0xac: {  	[dreg:$0x1] =	wrdreg $0xFFFFFFFF  }
0xad: {  	[dreg:$0x0] =	wrdreg $0x60  }
0xae: {  	[dreg:$0x2] =	wrdreg s24  }
0xaf: {  	[dreg:$0x3] =	wrdreg $0x90000  }
0xb0: {  	[dreg:$0x4] =	wrdreg $0x9  }
0xb1: {  	_ =	task.clear_ibuf [dreg:s6], $0x5FFFF;
	_ =	strace $0x9000004C  }
0xb2: {  	s29 =	simm.s32 $0x9;
	_ =	strace $0x8000004E  }
0xb3: {  	_ =	swait.ge [sflag:s29], $0x1  }
0xb4: {  	[sflag:s29] =	ssyncadd.s32 $0xFFFFFFFF  }
0xb5: {  	_ =	strace $0x9000004E  }
0xb6: {  	_ =	sfence  }
0xb7: {  	s30 =	sld [smem:$0x0];
	_ =	sdelay $0x2  }
0xb8: {  	s31 =	sshll.u32 s1, $0xD;
	s1 =	sshrl.u32 s1, $0x2  }
0xb9: {  	s3 =	sand.u32 $0x4000, s31;
	s1 =	sadd.s32 s1, s30  }
0xba: {  	s0 =	sor.u32 s3, s0;
	s1 =	sshll.u32 s1, $0x11  }
0xbb: {  	s0 =	sor.u32 s1, s0  }
0xbc: {  	s0 =	sadd.s32 $0x8F2B, s0  }
0xbd: {  	[sflag:s0] =	ssyncadd.remote.s32 $0x1  }
0xbe: {  	_ =	sfence.sel $0xFFFF  }
0xbf: {  	[dreg:$0x0] =	wrdreg $0xFFFFFFFF;
	(pc) =	sbr.abs _section_cstart, $3  }
0xc0: {  	[dreg:$0x1] =	wrdreg $0xFFFFFFFF  }
0xc1: {  	_ =	task.clear_ibuf [dreg:s6], $0x2FFFF;
	_ =	strace $0x9FFFFFFF  }
0xc2: {  	(tm) =	ssettm $0x7FFFFFFF  }
0xc3: {  	_ =	shalt  }
tec
execute0_lowered:
.L_overlay_start_1:
0x0: {  	(tag) =	ssettag $0x1  }
0x1: {  	s5 =	rddreg [dreg:$0x0]  }
0x2: {  	s2 =	rddreg [dreg:$0x1]  }
0x3: {  	s0 =	rddreg [dreg:$0x2]  }
0x4: {  	s1 =	stileid.u32;
	s4 =	srdreg.scid;
	s3 =	simm.s32 $0x0  }
0x5: {  	s17 =	simm.s32 $0x5000;
	s18 =	simm.s32 $0x0;
	s6 =	smul.u32 $0x14000, s1  }
0x6: {  	s7 =	sand.u32 $0x1, s4;
	[smem:$0x7FF] =	sst s3;
	s11 =	smul.u32 $0x50000, s1  }
0x7: {  	s9 =	sadd.s32 $0xD000, s5;
	s10 =	sadd.s32 $0x2600, s5;
	s13 =	smul.u32 $0x2800, s1  }
0x8: {  	s4 =	sadd.s32 $0x8D400, s5;
	s29 =	sshll.u32 s1, $0x6;
	s30 =	smul.u32 $0x500, s1  }
0x9: {  	s8 =	smul.u32 $0x140000, s7;
	_ =	strace $0x8000004D;
	s26 =	ssub.s32 $0x2, s7  }
0xa: {  	s16 =	smul.u32 $0x2710, s7;
	s28 =	sshrl.u32 s26, $0x1;
	s11 =	sshrl.u32 s11, $0x2  }
0xb: {  	s31 =	sshrl.u32 s13, $0x3;
	s7 =	sadd.s32 s9, s30;
	s8 =	sadd.s32 s6, s8  }
0xc: {  	s6 =	sshrl.u32 s6, $0x3;
	s14 =	ssub.s32 s26, s28;
	s15 =	sadd.s32 s11, s2  }
0xd: {  	s11 =	sadd.s32 $0x5000, s31;
	v0 =	vmov s16;
	s16 =	simm.s32 $0x80;
	s8 =	sshrl.u32 s8, $0x3  }
0xe: {  	s6 =	sadd.s32 s6, s5;
	s9 =	sadd.s32 s9, s11;
	s13 =	sshrl.u32 s15, $0x3  }
0xf: {  	s15 =	simm.s32 $0x2800;
	s12 =	sadd.s32 s8, s5;
	s5 =	sadd.s32 $0x65400, s6  }
0x10: {  	s6 =	sor.u32 $0x1C01, s29;
	s8 =	sadd.s32 s10, s30;
	s10 =	sadd.s32 s10, s11  }
0x11: {  	s11 =	sadd.s32 $0xDB600, s12;
	s12 =	smax.u32 s14, $0x1;
	s14 =	simm.s32 $0x1  }
.LBB2_1:
0x12: {  	[spmem:s13], [sflag:s6] =	dma.local [hbm:s5], $0x2800  }
0x13: {  	_ =	swait.ge [sflag:s14], $0x2800  }
0x14: {  	[sflag:s14] =	ssyncset.done $0x0  }
0x15: {  	[sflag:s14] =	ssyncadd.s32 $0xFFFFD800  }
0x16: {  	[bflag:$0x0] =	sbarrier.arrive $0xFFFF  }
0x17: {  	[tilespmem:s3], [sflag:$0x1] =	stream.linear.gather [hbm4b:s7+s3], $0x2780, $0x38;
	[tilespmem:$0x1D000] =	vst v63  }
0x18: {  	_ =	swait.ge [sflag:s14], $0x2780  }
0x19: {  	[sflag:s14] =	ssyncset.done $0x0  }
0x1a: {  	[sflag:s14] =	ssyncadd.s32 $0xFFFFD880  }
0x1b: {  	[tilespmem:s15], [sflag:$0x1] =	stream.linear.gather [hbm4b:s8+s3], $0x2780, $0x38;
	[tilespmem:$0x1D000] =	vst v63  }
0x1c: {  	_ =	swait.ge [sflag:s14], $0x2780  }
0x1d: {  	[sflag:s14] =	ssyncset.done $0x0  }
0x1e: {  	s19 =	simm.s32 $0x70;
	[sflag:s14] =	ssyncadd.s32 $0xFFFFD880  }
0x1f: {  	v3 =	vld [tilespmem:s19+$0xFFFFFF90]  }
0x20: {  	v5 =	vld [tilespmem:s19+$0xFFFFFFA0]  }
0x21: {  	v4 =	vld [tilespmem:s19+$0xFFFFFFB0]  }
0x22: {  	v2 =	vld [tilespmem:s19+$0xFFFFFFC0]  }
0x23: {  	v1 =	vld [tilespmem:s19+$0xFFFFFFD0]  }
0x24: {  	s20 =	simm.s32 $0x3C0;
	v6 =	vadd.s32 v0, v3;
	v3 =	vld [tilespmem:s19+$0xFFFFFFE0]  }
.LBB2_2:
0x25: {  	p0 =	sne.s32 s20, $0x9DC0;
	[tilespmem:s19+$0xFFFFFF90] =	vst v6;
	v5 =	vadd.s32 v0, v5;
	v6 =	vld [tilespmem:s19+$0x0]  }
0x26: {  	s21 =	sshra.s32 s20, $0x2;
	[tilespmem:s19+$0xFFFFFFA0] =	vst v5;
	v4 =	vadd.s32 v0, v4;
	v7 =	vld [tilespmem:s19+$0xFFFFFFF0]  }
0x27: {  	v8 =	vld [tilespmem:s21+$0xFFFFFF90];
	[tilespmem:s19+$0xFFFFFFB0] =	vst v4;
	v2 =	vadd.s32 v0, v2  }
.Ltmp0:
0x28: {  	v5 =	vld [tilespmem:s21+$0xFFFFFFA0];
	[tilespmem:s19+$0xFFFFFFC0] =	vst v2;
	v1 =	vadd.s32 v0, v1;
	(pc) =	sbr.rel @p0 .LBB2_2-.Ltmp0, $4  }
0x29: {  	v4 =	vld [tilespmem:s21+$0xFFFFFFB0];
	[tilespmem:s19+$0xFFFFFFD0] =	vst v1;
	v1 =	vadd.s32 v0, v3  }
0x2a: {  	v2 =	vld [tilespmem:s21+$0xFFFFFFC0];
	[tilespmem:s19+$0xFFFFFFE0] =	vst v1;
	v3 =	vadd.s32 v0, v6  }
0x2b: {  	v1 =	vld [tilespmem:s21+$0xFFFFFFD0];
	v7 =	vadd.s32 v0, v7;
	[tilespmem:s19+$0x0] =	vst v3  }
0x2c: {  	s20 =	sadd.s32 $0x200, s20;
	v6 =	vadd.s32 v0, v8;
	v3 =	vld [tilespmem:s21+$0xFFFFFFE0];
	[tilespmem:s19+$0xFFFFFFF0] =	vst v7;
	s19 =	smov.u32 s21  }
0x2d: {  	[tilespmem:s19+$0xFFFFFF90] =	vst v6;
	v5 =	vadd.s32 v0, v5;
	v62 =	vld [tilespmem:s19+$0x0]  }
0x2e: {  	v63 =	vld [tilespmem:s19+$0xFFFFFFF0];
	[tilespmem:s19+$0xFFFFFFA0] =	vst v5;
	v4 =	vadd.s32 v0, v4  }
0x2f: {  	[tilespmem:s19+$0xFFFFFFB0] =	vst v4;
	v2 =	vadd.s32 v0, v2  }
0x30: {  	[tilespmem:s19+$0xFFFFFFC0] =	vst v2;
	v1 =	vadd.s32 v0, v1  }
0x31: {  	[tilespmem:s19+$0xFFFFFFD0] =	vst v1;
	v1 =	vadd.s32 v0, v3  }
0x32: {  	[tilespmem:s19+$0xFFFFFFE0] =	vst v1;
	v1 =	vadd.s32 v0, v62  }
0x33: {  	v2 =	vadd.s32 v0, v63;
	[tilespmem:s19+$0x0] =	vst v1  }
0x34: {  	s30 =	simm.s32 $0x0;
	[tilespmem:s19+$0xFFFFFFF0] =	vst v2  }
0x35: {  	[tilespmem:s17], [sflag:$0x1] =	stream.indirect.gather [hbm4b:s4+s16], $0x80, s30, s16, $0xb8;
	[tilespmem:$0x1D000] =	vst v63  }
0x36: {  	_ =	swait.ge [sflag:s14], $0x4000  }
0x37: {  	[sflag:s14] =	ssyncset.done $0x0  }
0x38: {  	s31 =	simm.s32 $0x2800;
	[sflag:s14] =	ssyncadd.s32 $0xFFFFC000  }
0x39: {  	[spmem:s2] =	stream.indirect.scatter.add.f32 [tilespmem:s17], [sflag:$0x1], $0x80, s31, s16, $0xb8;
	[tilespmem:$0x1D000] =	vst v63  }
0x3a: {  	_ =	swait.ge [sflag:s14], $0x4000  }
0x3b: {  	s20 =	simm.s32 $0x400;
	s19 =	simm.s32 $0x200;
	[sflag:s14] =	ssyncset.done $0x0  }
.LBB2_4:
0x3c: {  	s21 =	sshra.s32 s19, $0x2  }
0x3d: {  	[sflag:s14] =	ssyncadd.s32 $0xFFFFC000;
	s19 =	smov.u32 s20;
	s22 =	sadd.s32 $0x200, s20  }
0x3e: {  	[tilespmem:s17], [sflag:$0x1] =	stream.indirect.gather [hbm4b:s4+s16], $0x80, s21, s16, $0xb8;
	[tilespmem:$0x1D000] =	vst v63  }
0x3f: {  	p0 =	sne.s32 s20, $0x9C00;
	_ =	swait.ge [sflag:s14], $0x4000  }
.Ltmp1:
0x40: {  	[sflag:s14] =	ssyncset.done $0x0;
	(pc) =	sbr.rel @p0 .LBB2_4-.Ltmp1, $4  }
0x41: {  	s20 =	sadd.s32 $0x2800, s21;
	[sflag:s14] =	ssyncadd.s32 $0xFFFFC000  }
0x42: {  	[spmem:s2] =	stream.indirect.scatter.add.f32 [tilespmem:s17], [sflag:$0x1], $0x80, s20, s16, $0xb8;
	[tilespmem:$0x1D000] =	vst v63  }
0x43: {  	_ =	swait.ge [sflag:s14], $0x4000  }
0x44: {  	s20 =	smov.u32 s22;
	[sflag:s14] =	ssyncset.done $0x0  }
0x45: {  	s19 =	sshra.s32 s19, $0x2;
	[sflag:s14] =	ssyncadd.s32 $0xFFFFC000  }
0x46: {  	[tilespmem:s17], [sflag:$0x1] =	stream.indirect.gather [hbm4b:s4+s16], $0x80, s19, s16, $0xb8;
	[tilespmem:$0x1D000] =	vst v63  }
0x47: {  	_ =	swait.ge [sflag:s14], $0x4000  }
0x48: {  	[sflag:s14] =	ssyncset.done $0x0  }
0x49: {  	s19 =	sadd.s32 $0x2800, s19;
	[sflag:s14] =	ssyncadd.s32 $0xFFFFC000  }
0x4a: {  	[spmem:s2] =	stream.indirect.scatter.add.f32 [tilespmem:s17], [sflag:$0x1], $0x80, s19, s16, $0xb8;
	[tilespmem:$0x1D000] =	vst v63  }
0x4b: {  	_ =	swait.ge [sflag:s14], $0x4000  }
0x4c: {  	[sflag:s14] =	ssyncset.done $0x0  }
0x4d: {  	[sflag:s14] =	ssyncadd.s32 $0xFFFFC000  }
0x4e: {  	[tilespmem:s3], [sflag:$0x1] =	stream.linear.gather [hbm4b:s9+s3], $0x2780, $0x38;
	[tilespmem:$0x1D000] =	vst v63  }
0x4f: {  	_ =	swait.ge [sflag:s14], $0x2780  }
0x50: {  	[sflag:s14] =	ssyncset.done $0x0  }
0x51: {  	[sflag:s14] =	ssyncadd.s32 $0xFFFFD880  }
0x52: {  	[tilespmem:s15], [sflag:$0x1] =	stream.linear.gather [hbm4b:s10+s3], $0x2780, $0x38;
	[tilespmem:$0x1D000] =	vst v63  }
0x53: {  	_ =	swait.ge [sflag:s14], $0x2780  }
0x54: {  	[sflag:s14] =	ssyncset.done $0x0  }
0x55: {  	s19 =	simm.s32 $0x70;
	[sflag:s14] =	ssyncadd.s32 $0xFFFFD880  }
0x56: {  	v3 =	vld [tilespmem:s19+$0xFFFFFF90]  }
0x57: {  	v5 =	vld [tilespmem:s19+$0xFFFFFFA0]  }
0x58: {  	v4 =	vld [tilespmem:s19+$0xFFFFFFB0]  }
0x59: {  	v2 =	vld [tilespmem:s19+$0xFFFFFFC0]  }
0x5a: {  	v1 =	vld [tilespmem:s19+$0xFFFFFFD0]  }
0x5b: {  	s20 =	simm.s32 $0x3C0;
	v6 =	vadd.s32 v0, v3;
	v3 =	vld [tilespmem:s19+$0xFFFFFFE0]  }
.LBB2_6:
0x5c: {  	p0 =	sne.s32 s20, $0x9DC0;
	[tilespmem:s19+$0xFFFFFF90] =	vst v6;
	v5 =	vadd.s32 v0, v5;
	v6 =	vld [tilespmem:s19+$0x0]  }
0x5d: {  	s21 =	sshra.s32 s20, $0x2;
	[tilespmem:s19+$0xFFFFFFA0] =	vst v5;
	v4 =	vadd.s32 v0, v4;
	v7 =	vld [tilespmem:s19+$0xFFFFFFF0]  }
0x5e: {  	v8 =	vld [tilespmem:s21+$0xFFFFFF90];
	[tilespmem:s19+$0xFFFFFFB0] =	vst v4;
	v2 =	vadd.s32 v0, v2  }
.Ltmp2:
0x5f: {  	v5 =	vld [tilespmem:s21+$0xFFFFFFA0];
	[tilespmem:s19+$0xFFFFFFC0] =	vst v2;
	v1 =	vadd.s32 v0, v1;
	(pc) =	sbr.rel @p0 .LBB2_6-.Ltmp2, $4  }
0x60: {  	v4 =	vld [tilespmem:s21+$0xFFFFFFB0];
	[tilespmem:s19+$0xFFFFFFD0] =	vst v1;
	v1 =	vadd.s32 v0, v3  }
0x61: {  	v2 =	vld [tilespmem:s21+$0xFFFFFFC0];
	[tilespmem:s19+$0xFFFFFFE0] =	vst v1;
	v3 =	vadd.s32 v0, v6  }
0x62: {  	v1 =	vld [tilespmem:s21+$0xFFFFFFD0];
	v7 =	vadd.s32 v0, v7;
	[tilespmem:s19+$0x0] =	vst v3  }
0x63: {  	s20 =	sadd.s32 $0x200, s20;
	v6 =	vadd.s32 v0, v8;
	v3 =	vld [tilespmem:s21+$0xFFFFFFE0];
	[tilespmem:s19+$0xFFFFFFF0] =	vst v7;
	s19 =	smov.u32 s21  }
0x64: {  	[tilespmem:s19+$0xFFFFFF90] =	vst v6;
	v5 =	vadd.s32 v0, v5;
	v62 =	vld [tilespmem:s19+$0x0]  }
0x65: {  	v63 =	vld [tilespmem:s19+$0xFFFFFFF0];
	[tilespmem:s19+$0xFFFFFFA0] =	vst v5;
	v4 =	vadd.s32 v0, v4  }
0x66: {  	[tilespmem:s19+$0xFFFFFFB0] =	vst v4;
	v2 =	vadd.s32 v0, v2  }
0x67: {  	[tilespmem:s19+$0xFFFFFFC0] =	vst v2;
	v1 =	vadd.s32 v0, v1  }
0x68: {  	[tilespmem:s19+$0xFFFFFFD0] =	vst v1;
	v1 =	vadd.s32 v0, v3  }
0x69: {  	[tilespmem:s19+$0xFFFFFFE0] =	vst v1;
	v1 =	vadd.s32 v0, v62  }
0x6a: {  	v2 =	vadd.s32 v0, v63;
	[tilespmem:s19+$0x0] =	vst v1  }
0x6b: {  	s30 =	simm.s32 $0x0;
	[tilespmem:s19+$0xFFFFFFF0] =	vst v2  }
0x6c: {  	[tilespmem:s17], [sflag:$0x1] =	stream.indirect.gather [hbm4b:s4+s16], $0x80, s30, s16, $0xb8;
	[tilespmem:$0x1D000] =	vst v63  }
0x6d: {  	_ =	swait.ge [sflag:s14], $0x4000  }
0x6e: {  	[sflag:s14] =	ssyncset.done $0x0  }
0x6f: {  	s31 =	simm.s32 $0x2800;
	[sflag:s14] =	ssyncadd.s32 $0xFFFFC000  }
0x70: {  	[spmem:s2] =	stream.indirect.scatter.add.f32 [tilespmem:s17], [sflag:$0x1], $0x80, s31, s16, $0xb8;
	[tilespmem:$0x1D000] =	vst v63  }
0x71: {  	_ =	swait.ge [sflag:s14], $0x4000  }
0x72: {  	s20 =	simm.s32 $0x400;
	s19 =	simm.s32 $0x200;
	[sflag:s14] =	ssyncset.done $0x0  }
.LBB2_8:
0x73: {  	s21 =	sshra.s32 s19, $0x2  }
0x74: {  	[sflag:s14] =	ssyncadd.s32 $0xFFFFC000;
	s19 =	smov.u32 s20;
	s22 =	sadd.s32 $0x200, s20  }
0x75: {  	[tilespmem:s17], [sflag:$0x1] =	stream.indirect.gather [hbm4b:s4+s16], $0x80, s21, s16, $0xb8;
	[tilespmem:$0x1D000] =	vst v63  }
0x76: {  	p0 =	sne.s32 s20, $0x9C00;
	_ =	swait.ge [sflag:s14], $0x4000  }
.Ltmp3:
0x77: {  	[sflag:s14] =	ssyncset.done $0x0;
	(pc) =	sbr.rel @p0 .LBB2_8-.Ltmp3, $4  }
0x78: {  	s20 =	sadd.s32 $0x2800, s21;
	[sflag:s14] =	ssyncadd.s32 $0xFFFFC000  }
0x79: {  	[spmem:s2] =	stream.indirect.scatter.add.f32 [tilespmem:s17], [sflag:$0x1], $0x80, s20, s16, $0xb8;
	[tilespmem:$0x1D000] =	vst v63  }
0x7a: {  	_ =	swait.ge [sflag:s14], $0x4000  }
0x7b: {  	s20 =	smov.u32 s22;
	[sflag:s14] =	ssyncset.done $0x0  }
0x7c: {  	s19 =	sshra.s32 s19, $0x2;
	[sflag:s14] =	ssyncadd.s32 $0xFFFFC000  }
0x7d: {  	[tilespmem:s17], [sflag:$0x1] =	stream.indirect.gather [hbm4b:s4+s16], $0x80, s19, s16, $0xb8;
	[tilespmem:$0x1D000] =	vst v63  }
0x7e: {  	_ =	swait.ge [sflag:s14], $0x4000  }
0x7f: {  	[sflag:s14] =	ssyncset.done $0x0  }
0x80: {  	s19 =	sadd.s32 $0x2800, s19;
	[sflag:s14] =	ssyncadd.s32 $0xFFFFC000  }
0x81: {  	[spmem:s2] =	stream.indirect.scatter.add.f32 [tilespmem:s17], [sflag:$0x1], $0x80, s19, s16, $0xb8;
	[tilespmem:$0x1D000] =	vst v63  }
0x82: {  	_ =	swait.ge [sflag:s14], $0x4000  }
0x83: {  	s18 =	sadd.s32 $0x1, s18;
	[sflag:s14] =	ssyncset.done $0x0  }
0x84: {  	p0 =	sne.s32 s18, s12;
	[sflag:s14] =	ssyncadd.s32 $0xFFFFC000  }
.Ltmp4:
0x85: {  	[bflag:$0x0] =	sbarrier.arrive $0xFFFF;
	(pc) =	sbr.rel @p0 .LBB2_1-.Ltmp4, $4  }
0x86: {  	[hbm:s11], [sflag:s6] =	dma.local [spmem:s13], $0x2800  }
0x87: {  	_ =	swait.ge [sflag:s14], $0x2800  }
0x88: {  	[sflag:s14] =	ssyncset.done $0x0  }
0x89: {  	[sflag:s14] =	ssyncadd.s32 $0xFFFFD800  }
0x8a: {  	_ =	sfence.sel $0x180000  }
0x8b: {  	[bflag:$0x0] =	sbarrier.arrive $0xFFFF  }
0x8c: {  	p0 =	sne.s32 s1, $0x0;
	_ =	strace $0x9000004D  }
0x8d: {  	s0 =	sadd.s32 @!p0 $0x100000, s0;
	[bflag:$0x2] =	sbarrier.arrive $0xFFFF  }
0x8e: {  	[sflag:s0] =	ssyncadd.tile.s32 @!p0 $0x1;
	_ =	shalt  }
.Lfunc_end2:
_tile_overlayer_lowered:
.L_overlay_start_2:
0x8f: {  	(tag) =	ssettag $0x2  }
0x90: {  	s0 =	rddreg [dreg:$0x0];
	s2 =	stileid.u32  }
0x91: {  	s1 =	rddreg [dreg:$0x1];
	p0 =	sne.s32 s2, $0x0  }
0x92: {  	s3 =	rddreg [dreg:$0x2];
	[bflag:$0x3] =	sbarrier.arrive $0xFFFF;
	s2 =	simm.s32 @!p0 $0x1C01  }
0x93: {  	[timem:s3], [sflag:s2] =	dma.local @!p0 [hbm:s0], s1  }
0x94: {  	s0 =	simm.s32 @!p0 $0x1  }
0x95: {  	_ =	swait.ge @!p0 [sflag:s0], s1  }
0x96: {  	s1 =	ssub.s32 @!p0 $0x0, s1;
	[sflag:s0] =	ssyncset.done @!p0 $0x0  }
0x97: {  	[sflag:s0] =	ssyncadd.s32 @!p0 s1  }
0x98: {  	[bflag:$0x3] =	sbarrier.arrive $0xFFFF  }
0x99: {  	_ =	shalt  }

// kernel: kernel.8.cloned.1.call-start
scs
__scs_entry_jumppad:
0x0: {  	(pc) =	sbr.rel $0x88, $3  }
0x1: {  	(tag) =	ssettag $0x0;
	lr =	simm.s32 $0x1  }
0x2: {  	[smem:$0x3F98] =	sst lr;
	_ =	strace $0xD0000000  }
0x3: {  	_ = 	snop  }
0x4: {  	_ = 	snop  }
0x5: {  	_ = 	snop  }
0x6: {  	_ = 	snop  }
0x7: {  	_ = 	snop  }
__scs_overlays_trampoline_lowered:
0x8: {  	[smem:$0x3FA7] =	sst s0  }
0x9: {  	[smem:$0x3FA8] =	sst s1  }
0xa: {  	[smem:$0x3FA9] =	sst s2  }
0xb: {  	[smem:$0x3FAA] =	sst s3  }
0xc: {  	[smem:$0x3FAB] =	sst s4  }
0xd: {  	[smem:$0x3FAC] =	sst s5  }
0xe: {  	[smem:$0x3FAD] =	sst s6  }
0xf: {  	[smem:$0x3FAE] =	sst s7  }
0x10: {  	[smem:$0x3FAF] =	sst s8  }
0x11: {  	[smem:$0x3FB0] =	sst s9;
	s0 =	simm.s32 @!p0 $0x0  }
0x12: {  	s1 =	sld [smem:$0x3F96];
	s0 =	simm.s32 @p0 $0x1  }
0x13: {  	[smem:$0x3FB1] =	sst s0;
	s0 =	simm.s32 @!p1 $0x0  }
0x14: {  	s2 =	sld [smem:$0x3F95];
	s0 =	simm.s32 @p1 $0x1  }
0x15: {  	[smem:$0x3FB2] =	sst s0;
	s0 =	simm.s32 @!p2 $0x0  }
0x16: {  	s3 =	sld [smem:$0x3FDB];
	s0 =	simm.s32 @p2 $0x1  }
0x17: {  	s4 =	simm.s32 $0x1BF5;
	[smem:$0x3FB4] =	sst s0  }
0x18: {  	s0 =	sld [smem:$0x3F97];
	_ =	swait.ge [sflag:s4], $0x0  }
0x19: {  	s7 =	sld [smem:$0x3F98]  }
0x1a: {  	s8 =	sadd.s32 $0xFFFFE003, lr  }
0x1b: {  	s9 =	sadd.s32 $0xFFFFFEF7, lr;
	s5 =	simm.s32 $0xFFFFFFFF;
	p2 =	slt.u32 s8, $0xFFFFF086  }
0x1c: {  	p1 =	slt.u32 s9, $0xF7A;
	s5 =	simm.s32 @!p2 $0x0  }
0x1d: {  	s5 =	simm.s32 @p1 $0x1;
	p0 =	seq.s32 s7, s2  }
0x1e: {  	s7 =	smul.u32 @!p0 $0xF7A, s2;
	p2 =	seq.s32 @!p0 s5, $0x0  }
0x1f: {  	s9 =	smul.u32 $0xF7A, s1;
	s8 =	simm.s32 @!p0 $0x1BF5;
	p2 =	por !p2, p0  }
0x20: {  	[sflag:s8] =	ssyncset.s32 @!p0 $0xFFFFF086;
	s6 =	sadd.s32 @!p0 s3, s7;
	s7 =	simm.s32 @!p0 $0x108  }
0x21: {  	s3 =	sadd.s32 s3, s9;
	s6 =	sadd.s32 @!p0 $0x88, s6;
	s7 =	simm.s32 @p2 $0x1082  }
0x22: {  	[simem:s7], [sflag:s8] =	dma.local @!p0 [hbm:s6], $0xF7A  }
0x23: {  	s9 =	sor.u32 $0xD0000000, s2;
	s6 =	simm.s32 $0x108;
	_ =	swait.ge @!p0 [sflag:s8], $0x0  }
0x24: {  	s3 =	sadd.s32 $0x88, s3;
	s6 =	simm.s32 @!p1 $0x1082;
	[sflag:s4] =	ssyncset.s32 $0xFFFFF086  }
0x25: {  	[simem:s6], [sflag:s4] =	dma.local [hbm:s3], $0xF7A  }
0x26: {  	[smem:$0x3F98] =	sst s1;
	(tag) =	ssettag s2;
	_ =	strace s9  }
0x27: {  	s1 =	sld [smem:$0x3FA8]  }
0x28: {  	s2 =	sld [smem:$0x3FA9]  }
0x29: {  	s4 =	sld [smem:$0x3FAB]  }
0x2a: {  	p0 =	seq.s32 s5, $0x0;
	s5 =	sld [smem:$0x3FAC]  }
0x2b: {  	s6 =	sld [smem:$0x3FAD]  }
0x2c: {  	s7 =	sld [smem:$0x3FAE]  }
0x2d: {  	s3 =	simm.s32 $0x108;
	s8 =	sld [smem:$0x3FAF]  }
0x2e: {  	s3 =	simm.s32 @!p0 $0x1082;
	s9 =	sld [smem:$0x3FB0]  }
0x2f: {  	lr =	sadd.s32 s0, s3;
	s0 =	sld [smem:$0x3FA7]  }
0x30: {  	s3 =	sld [smem:$0x3FAA]  }
0x31: {  	[smem:$0x3FB3] =	sst s10  }
0x32: {  	s10 =	sld [smem:$0x3FB1];
	_ =	sdelay $0x3  }
0x33: {  	p0 =	seq.s32 s10, $0x1;
	s10 =	sld [smem:$0x3FB3];
	_ =	sdelay $0x3  }
0x34: {  	[smem:$0x3FB3] =	sst s10  }
0x35: {  	s10 =	sld [smem:$0x3FB2];
	_ =	sdelay $0x3  }
0x36: {  	p1 =	seq.s32 s10, $0x1;
	s10 =	sld [smem:$0x3FB3];
	_ =	sdelay $0x3  }
0x37: {  	[smem:$0x3FB3] =	sst s10  }
0x38: {  	s10 =	sld [smem:$0x3FB4]  }
0x39: {  	_ = 	snop;
	(pc) =	sbr.ind lr, $3  }
0x3a: {  	_ = 	snop  }
0x3b: {  	_ = 	snop  }
0x3c: {  	p2 =	seq.s32 s10, $0x1;
	s10 =	sld [smem:$0x3FB3]  }
0x3d: {  	_ =	shalt  }
0x3e: {  	_ =	shalt  }
0x3f: {  	_ =	shalt  }
0x40: {  	_ =	shalt  }
0x41: {  	_ =	shalt  }
0x42: {  	_ =	shalt  }
0x43: {  	_ =	shalt  }
0x44: {  	_ =	shalt  }
0x45: {  	_ =	shalt  }
0x46: {  	_ =	shalt  }
0x47: {  	_ =	shalt  }
0x48: {  	_ =	shalt  }
0x49: {  	_ =	shalt  }
0x4a: {  	_ =	shalt  }
0x4b: {  	_ =	shalt  }
0x4c: {  	_ =	shalt  }
0x4d: {  	_ =	shalt  }
0x4e: {  	_ =	shalt  }
0x4f: {  	_ =	shalt  }
0x50: {  	_ =	shalt  }
0x51: {  	_ =	shalt  }
0x52: {  	_ =	shalt  }
0x53: {  	_ =	shalt  }
0x54: {  	_ =	shalt  }
0x55: {  	_ =	shalt  }
0x56: {  	_ =	shalt  }
0x57: {  	_ =	shalt  }
0x58: {  	_ =	shalt  }
0x59: {  	_ =	shalt  }
0x5a: {  	_ =	shalt  }
0x5b: {  	_ =	shalt  }
0x5c: {  	_ =	shalt  }
0x5d: {  	_ =	shalt  }
0x5e: {  	_ =	shalt  }
0x5f: {  	_ =	shalt  }
0x60: {  	_ =	shalt  }
0x61: {  	_ =	shalt  }
0x62: {  	_ =	shalt  }
0x63: {  	_ =	shalt  }
0x64: {  	_ =	shalt  }
0x65: {  	_ =	shalt  }
0x66: {  	_ =	shalt  }
0x67: {  	_ =	shalt  }
0x68: {  	_ =	shalt  }
0x69: {  	_ =	shalt  }
0x6a: {  	_ =	shalt  }
0x6b: {  	_ =	shalt  }
0x6c: {  	_ =	shalt  }
0x6d: {  	_ =	shalt  }
0x6e: {  	_ =	shalt  }
0x6f: {  	_ =	shalt  }
0x70: {  	_ =	shalt  }
0x71: {  	_ =	shalt  }
0x72: {  	_ =	shalt  }
0x73: {  	_ =	shalt  }
0x74: {  	_ =	shalt  }
0x75: {  	_ =	shalt  }
0x76: {  	_ =	shalt  }
0x77: {  	_ =	shalt  }
0x78: {  	_ =	shalt  }
0x79: {  	_ =	shalt  }
0x7a: {  	_ =	shalt  }
0x7b: {  	_ =	shalt  }
0x7c: {  	_ =	shalt  }
0x7d: {  	_ =	shalt  }
0x7e: {  	_ =	shalt  }
0x7f: {  	_ =	shalt  }
0x80: {  	_ =	shalt  }
0x81: {  	_ =	shalt  }
0x82: {  	_ =	shalt  }
0x83: {  	_ =	shalt  }
0x84: {  	_ =	shalt  }
0x85: {  	_ =	shalt  }
0x86: {  	_ =	shalt  }
0x87: {  	_ =	shalt  }
.Lfunc_end0:
.L_simem_size_0:
called_computation_lowered:
.L_overlay_start_0:
0x88: {  	s2 =	sld [smem:$0x3FD9]  }
0x89: {  	s3 =	sld [smem:$0x3FFE];
	_ =	sdelay $0x1  }
0x8a: {  	s1 =	srdreg.scid  }
0x8b: {  	s0 =	sand.u32 $0x1, s1  }
0x8c: {  	s16 =	sshll.u32 s0, $0xA;
	s2 =	sadd.s32 s3, s2  }
0x8d: {  	s2 =	sadd.s32 s2, s16  }
0x8e: {  	[smem:$0x3FBF] =	sst s2  }
0x8f: {  	_ = 	snop  }
0x90: {  	(tm) =	ssettm $0x1  }
0x91: {  	s17 =	sld [smem:$0x3FFB];
	_ =	sdelay $0x3  }
0x92: {  	_ =	strace s17  }
0x93: {  	s2 =	sld [smem:$0x3FFC];
	_ =	sdelay $0x3  }
0x94: {  	_ =	strace s2  }
0x95: {  	s2 =	sld [smem:$0x3FFD];
	_ =	sdelay $0x3  }
0x96: {  	_ =	strace s2  }
0x97: {  	_ =	strace $0x8FFFFFFF  }
0x98: {  	s18 =	sld [smem:$0x3FDB];
	_ =	sdelay $0x1  }
0x99: {  	s19 =	simm.s32 $_scs_section_size  }
0x9a: {  	s4 =	simm.s32 $_size__tile_overlayer_lowered;
	s5 =	simm.s32 $_tile_overlayer_lowered  }
0x9b: {  	s22 =	simm.s32 $0x1BFF;
	s21 =	sshll.u32 s5, $0x1;
	s2 =	sadd.s32 s19, s18  }
0x9c: {  	s6 =	simm.s32 $0x0;
	s20 =	sshll.u32 s4, $0x1;
	s4 =	sadd.s32 s21, s2  }
0x9d: {  	[timem:s6], [sflag:s22] =	dma.local [hbm:s4], s20  }
0x9e: {  	_ =	swait.ge [sflag:s22], s20  }
0x9f: {  	s3 =	ssub.s32 $0x0, s20;
	[sflag:s22] =	ssyncset.done $0x0  }
0xa0: {  	[sflag:s22] =	ssyncadd.s32 s3;
	_ =	sdelay $0x1  }
0xa1: {  	s23 =	simm.s32 $0x1B8B  }
0xa2: {  	_ =	swait.ge [sflag:s23], $0x1  }
0xa3: {  	[sflag:s23] =	ssyncset.done $0x0  }
0xa4: {  	s25 =	simm.s32 $0x1B8E;
	s24 =	sld [smem:$0x3FFE];
	[sflag:s23] =	ssyncadd.s32 $0xFFFFFFFF  }
0xa5: {  	s26 =	simm.s32 $execute0_lowered;
	[smem:$0x3FD2] =	sst s25  }
0xa6: {  	s4 =	sshll.u32 s26, $0x1;
	_ =	strace $0x80000046;
	[dreg:$0x1] =	wrdreg $0xFFFFFFFF  }
0xa7: {  	s28 =	simm.s32 $_size_execute0_lowered;
	s2 =	sadd.s32 s2, s4;
	[dreg:$0x0] =	wrdreg $0x0  }
0xa8: {  	s4 =	sshll.u32 s28, $0x1;
	[dreg:$0x2] =	wrdreg s2  }
0xa9: {  	[dreg:$0x3] =	wrdreg s4  }
0xaa: {  	[dreg:$0x4] =	wrdreg $0xC0  }
0xab: {  	_ =	task [dreg:s6], $0x5FFFF  }
0xac: {  	[dreg:$0x1] =	wrdreg $0xFFFFFFFF  }
0xad: {  	[dreg:$0x0] =	wrdreg $0x60  }
0xae: {  	[dreg:$0x2] =	wrdreg s24  }
0xaf: {  	[dreg:$0x3] =	wrdreg $0x2B000  }
0xb0: {  	[dreg:$0x4] =	wrdreg $0x9  }
0xb1: {  	_ =	task.clear_ibuf [dreg:s6], $0x5FFFF;
	_ =	strace $0x90000046  }
0xb2: {  	s29 =	simm.s32 $0x9;
	_ =	strace $0x80000048  }
0xb3: {  	_ =	swait.ge [sflag:s29], $0x1  }
0xb4: {  	[sflag:s29] =	ssyncadd.s32 $0xFFFFFFFF  }
0xb5: {  	_ =	strace $0x90000048  }
0xb6: {  	_ =	sfence  }
0xb7: {  	s30 =	sld [smem:$0x0];
	_ =	sdelay $0x2  }
0xb8: {  	s31 =	sshll.u32 s1, $0xD;
	s1 =	sshrl.u32 s1, $0x2  }
0xb9: {  	s3 =	sand.u32 $0x4000, s31;
	s1 =	sadd.s32 s1, s30  }
0xba: {  	s0 =	sor.u32 s3, s0;
	s1 =	sshll.u32 s1, $0x11  }
0xbb: {  	s0 =	sor.u32 s1, s0  }
0xbc: {  	s0 =	sadd.s32 $0x8F2B, s0  }
0xbd: {  	[sflag:s0] =	ssyncadd.remote.s32 $0x1  }
0xbe: {  	_ =	sfence.sel $0xFFFF  }
0xbf: {  	[dreg:$0x0] =	wrdreg $0xFFFFFFFF;
	(pc) =	sbr.abs _section_cstart, $3  }
0xc0: {  	[dreg:$0x1] =	wrdreg $0xFFFFFFFF  }
0xc1: {  	_ =	task.clear_ibuf [dreg:s6], $0x2FFFF;
	_ =	strace $0x9FFFFFFF  }
0xc2: {  	(tm) =	ssettm $0x7FFFFFFF  }
0xc3: {  	_ =	shalt  }
tec
execute0_lowered:
.L_overlay_start_1:
0x0: {  	(tag) =	ssettag $0x1  }
0x1: {  	s4 =	rddreg [dreg:$0x0]  }
0x2: {  	s2 =	rddreg [dreg:$0x1];
	s3 =	srdreg.scid  }
0x3: {  	s1 =	stileid.u32;
	s0 =	rddreg [dreg:$0x2];
	s10 =	simm.s32 $0x80  }
0x4: {  	s11 =	simm.s32 $0x2800;
	s14 =	simm.s32 $0x0;
	s5 =	sand.u32 $0x1, s3  }
0x5: {  	s6 =	smul.u32 $0x280, s1;
	s3 =	simm.s32 $0x0;
	s12 =	sshll.u32 s1, $0x6  }
0x6: {  	s7 =	sshll.u32 s5, $0x4;
	s8 =	smul.u32 $0x2800, s5;
	[smem:$0x7FF] =	sst s3  }
0x7: {  	s5 =	ssub.s32 $0x2, s5;
	s12 =	sor.u32 $0x1C01, s12;
	s7 =	sor.u32 s1, s7  }
0x8: {  	s9 =	sshrl.u32 s5, $0x1;
	s7 =	smul.u32 $0x500, s7;
	s8 =	sadd.s32 s6, s8  }
0x9: {  	_ =	strace $0x80000047;
	s9 =	ssub.s32 s5, s9;
	s8 =	sshrl.u32 s8, $0x3  }
0xa: {  	s7 =	sadd.s32 s7, s4;
	s8 =	sadd.s32 s8, s4;
	s4 =	sadd.s32 s6, s2  }
0xb: {  	s5 =	sadd.s32 $0x2600, s7;
	s6 =	sadd.s32 $0xC600, s8;
	s7 =	smax.u32 s9, $0x1  }
0xc: {  	v0 =	vimm.f32 $1.000000000e+00;
	v1 =	vimm.f32 $0.0e+00;
	s8 =	simm.s32 $0x2880;
	s9 =	simm.s32 $0x1;
	s13 =	sshrl.u32 s4, $0x3  }
.LBB2_1:
0xd: {  	[tilespmem:$0x2800] =	vst v0  }
0xe: {  	[tilespmem:$0x2810] =	vst v0  }
0xf: {  	[tilespmem:$0x2820] =	vst v0  }
0x10: {  	[tilespmem:$0x2830] =	vst v0  }
0x11: {  	[tilespmem:$0x2840] =	vst v0  }
0x12: {  	[tilespmem:$0x2850] =	vst v0  }
0x13: {  	[tilespmem:$0x2860] =	vst v0  }
0x14: {  	[tilespmem:$0x2870] =	vst v0  }
0x15: {  	[tilespmem:$0x2880] =	vst v1  }
0x16: {  	[tilespmem:$0x2890] =	vst v1  }
0x17: {  	[tilespmem:$0x28A0] =	vst v1  }
0x18: {  	[tilespmem:$0x28B0] =	vst v1  }
0x19: {  	[tilespmem:$0x28C0] =	vst v1  }
0x1a: {  	[tilespmem:$0x28D0] =	vst v1  }
0x1b: {  	[tilespmem:$0x28E0] =	vst v1  }
0x1c: {  	[tilespmem:$0x28F0] =	vst v1  }
0x1d: {  	[tilespmem:$0x2900] =	vst v1  }
0x1e: {  	[tilespmem:$0x2910] =	vst v1  }
0x1f: {  	[tilespmem:$0x2920] =	vst v1  }
0x20: {  	[tilespmem:$0x2930] =	vst v1  }
0x21: {  	[tilespmem:$0x2940] =	vst v1  }
0x22: {  	[tilespmem:$0x2950] =	vst v1  }
0x23: {  	[tilespmem:$0x2960] =	vst v1  }
0x24: {  	[tilespmem:$0x2970] =	vst v1  }
0x25: {  	[tilespmem:$0x2980] =	vst v1  }
0x26: {  	[tilespmem:$0x2990] =	vst v1  }
0x27: {  	[tilespmem:$0x29A0] =	vst v1  }
0x28: {  	[tilespmem:$0x29B0] =	vst v1  }
0x29: {  	[tilespmem:$0x29C0] =	vst v1  }
0x2a: {  	[tilespmem:$0x29D0] =	vst v1  }
0x2b: {  	[tilespmem:$0x29E0] =	vst v1  }
0x2c: {  	[tilespmem:$0x29F0] =	vst v1  }
0x2d: {  	[tilespmem:$0x2A00] =	vst v1  }
0x2e: {  	[tilespmem:$0x2A10] =	vst v1  }
0x2f: {  	[tilespmem:$0x2A20] =	vst v1  }
0x30: {  	[tilespmem:$0x2A30] =	vst v1  }
0x31: {  	[tilespmem:$0x2A40] =	vst v1  }
0x32: {  	[tilespmem:$0x2A50] =	vst v1  }
0x33: {  	[tilespmem:$0x2A60] =	vst v1  }
0x34: {  	[tilespmem:$0x2A70] =	vst v1  }
0x35: {  	[tilespmem:$0x2A80] =	vst v1  }
0x36: {  	[tilespmem:$0x2A90] =	vst v1  }
0x37: {  	[tilespmem:$0x2AA0] =	vst v1  }
0x38: {  	[tilespmem:$0x2AB0] =	vst v1  }
0x39: {  	[tilespmem:$0x2AC0] =	vst v1  }
0x3a: {  	[tilespmem:$0x2AD0] =	vst v1  }
0x3b: {  	[tilespmem:$0x2AE0] =	vst v1  }
0x3c: {  	[tilespmem:$0x2AF0] =	vst v1  }
0x3d: {  	[spmem:s4] =	stream.linear.scatter [tilespmem:s8], [sflag:$0x1], $0x280, $0x38;
	[tilespmem:$0x2D80] =	vst v63  }
0x3e: {  	_ =	swait.ge [sflag:s9], $0x280  }
0x3f: {  	[sflag:s9] =	ssyncset.done $0x0  }
0x40: {  	[sflag:s9] =	ssyncadd.s32 $0xFFFFFD80  }
0x41: {  	[tilespmem:s3], [sflag:$0x1] =	stream.linear.gather [hbm4b:s5+s3], $0x2780, $0x38;
	[tilespmem:$0x2D80] =	vst v63  }
0x42: {  	_ =	swait.ge [sflag:s9], $0x2780  }
0x43: {  	[sflag:s9] =	ssyncset.done $0x0  }
0x44: {  	[sflag:s9] =	ssyncadd.s32 $0xFFFFD880  }
0x45: {  	s15 =	simm.s32 $0x0;
	[bflag:$0x0] =	sbarrier.arrive $0xFFFF  }
0x46: {  	[spmem:s2] =	stream.indirect.scatter.add.f32 [tilespmem:s11], [sflag:$0x1], $0x1, s15, s10, $0xb8;
	[tilespmem:$0x2D80] =	vst v63  }
0x47: {  	_ =	swait.ge [sflag:s9], $0x80  }
0x48: {  	s15 =	simm.s32 $0x200;
	[sflag:s9] =	ssyncset.done $0x0  }
.LBB2_2:
0x49: {  	s16 =	sshra.s32 s15, $0x2;
	[sflag:s9] =	ssyncadd.s32 $0xFFFFFF80;
	p0 =	sne.s32 s15, $0x9C00  }
0x4a: {  	[spmem:s2] =	stream.indirect.scatter.add.f32 [tilespmem:s11], [sflag:$0x1], $0x1, s16, s10, $0xb8;
	[tilespmem:$0x2D80] =	vst v63  }
.Ltmp0:
0x4b: {  	_ = 	snop;
	(pc) =	sbr.rel @p0 .LBB2_2-.Ltmp0, $4  }
0x4c: {  	_ = 	snop  }
0x4d: {  	s15 =	sadd.s32 $0x200, s15  }
0x4e: {  	_ =	swait.ge [sflag:s9], $0x80  }
0x4f: {  	[sflag:s9] =	ssyncset.done $0x0  }
0x50: {  	s14 =	sadd.s32 $0x1, s14  }
0x51: {  	[sflag:s9] =	ssyncadd.s32 $0xFFFFFF80;
	p0 =	sne.s32 s14, s7  }
.Ltmp1:
0x52: {  	[bflag:$0x0] =	sbarrier.arrive $0xFFFF;
	(pc) =	sbr.rel @p0 .LBB2_1-.Ltmp1, $4  }
0x53: {  	[hbm:s6], [sflag:s12] =	dma.local [spmem:s13], $0x50  }
0x54: {  	_ =	swait.ge [sflag:s9], $0x50  }
0x55: {  	[sflag:s9] =	ssyncset.done $0x0  }
0x56: {  	[sflag:s9] =	ssyncadd.s32 $0xFFFFFFB0  }
0x57: {  	_ =	sfence.sel $0x180000  }
0x58: {  	[bflag:$0x0] =	sbarrier.arrive $0xFFFF  }
0x59: {  	p0 =	sne.s32 s1, $0x0;
	_ =	strace $0x90000047  }
0x5a: {  	s0 =	sadd.s32 @!p0 $0x100000, s0;
	[bflag:$0x2] =	sbarrier.arrive $0xFFFF  }
0x5b: {  	[sflag:s0] =	ssyncadd.tile.s32 @!p0 $0x1;
	_ =	shalt  }
.Lfunc_end2:
_tile_overlayer_lowered:
.L_overlay_start_2:
0x5c: {  	(tag) =	ssettag $0x2  }
0x5d: {  	s0 =	rddreg [dreg:$0x0];
	s2 =	stileid.u32  }
0x5e: {  	s1 =	rddreg [dreg:$0x1];
	p0 =	sne.s32 s2, $0x0  }
0x5f: {  	s3 =	rddreg [dreg:$0x2];
	[bflag:$0x3] =	sbarrier.arrive $0xFFFF;
	s2 =	simm.s32 @!p0 $0x1C01  }
0x60: {  	[timem:s3], [sflag:s2] =	dma.local @!p0 [hbm:s0], s1  }
0x61: {  	s0 =	simm.s32 @!p0 $0x1  }
0x62: {  	_ =	swait.ge @!p0 [sflag:s0], s1  }
0x63: {  	s1 =	ssub.s32 @!p0 $0x0, s1;
	[sflag:s0] =	ssyncset.done @!p0 $0x0  }
0x64: {  	[sflag:s0] =	ssyncadd.s32 @!p0 s1  }
0x65: {  	[bflag:$0x3] =	sbarrier.arrive $0xFFFF  }
0x66: {  	_ =	shalt  }

</sc_bundles>
